<compile_context>
chip_gen: v7x
topology: tpu7x:2x2x1
jax: 0.10.2.dev20260603
libtpu: 0.0.44.dev20260713+nightly
codegen_flags: <defaults>
</compile_context>

<pallas_src>
import functools

import jax
import jax.numpy as jnp
from jax import lax
from jax.experimental import pallas as pl
from jax.experimental.pallas import tpu as pltpu
from jax.experimental.pallas import tpu_sc as plsc

N_NODES = 10000
N_EDGES = 320000
D = 128

NC = 2
NS = 16

EDGES_PER_TILE = N_EDGES // (NC * NS)
CHUNK = 80
NCHUNKS = EDGES_PER_TILE // CHUNK
ROWS_PER_TILE = 640


NVEC = CHUNK // 16


def _sc_aggregate(x, src, dst, zeros):
    mesh = plsc.VectorSubcoreMesh(core_axis_name="c", subcore_axis_name="s")

    @functools.partial(
        pl.kernel,
        mesh=mesh,
        out_type=jax.ShapeDtypeStruct((NC, N_NODES, D), jnp.float32),
        scratch_types=[
            pltpu.VMEM((EDGES_PER_TILE,), jnp.int32),
            pltpu.VMEM((EDGES_PER_TILE,), jnp.int32),
            pltpu.VMEM((CHUNK,), jnp.int32),
            pltpu.VMEM((CHUNK,), jnp.int32),
            pltpu.VMEM((CHUNK,), jnp.int32),
            pltpu.VMEM((CHUNK,), jnp.int32),
            pltpu.VMEM((CHUNK, D), jnp.float32),
            pltpu.VMEM((CHUNK, D), jnp.float32),
            pltpu.VMEM_SHARED((N_NODES, D), jnp.float32),
            pltpu.SemaphoreType.DMA,
            pltpu.SemaphoreType.DMA,
        ],
    )
    def agg(x_hbm, src_hbm, dst_hbm, zeros_hbm, out_hbm,
            src_all, dst_all, src_a, src_b, dst_a, dst_b,
            rows_a, rows_b, aggr_sh, sem_a, sem_b):
        c = lax.axis_index("c")
        s = lax.axis_index("s")

        row0 = pl.multiple_of(lax.min(s * ROWS_PER_TILE, N_NODES - ROWS_PER_TILE), 8)
        pltpu.sync_copy(zeros_hbm.at[pl.ds(row0, ROWS_PER_TILE)],
                        aggr_sh.at[pl.ds(row0, ROWS_PER_TILE)])

        tile_base = (c * NS + s) * EDGES_PER_TILE
        pltpu.sync_copy(src_hbm.at[pl.ds(tile_base, EDGES_PER_TILE)], src_all)
        pltpu.sync_copy(dst_hbm.at[pl.ds(tile_base, EDGES_PER_TILE)], dst_all)
        plsc.subcore_barrier()

        def fire(chunk, src_v, dst_v, rows_v, sem):
            base = chunk * CHUNK
            for k in range(NVEC):
                src_v[pl.ds(16 * k, 16)] = src_all[pl.ds(base + 16 * k, 16)]
                dst_v[pl.ds(16 * k, 16)] = dst_all[pl.ds(base + 16 * k, 16)]
            pltpu.async_copy(x_hbm.at[src_v], rows_v, sem)

        def drain(src_v, rows_v, sem):
            pltpu.make_async_copy(x_hbm.at[src_v], rows_v, sem).wait()

        fire(0, src_a, dst_a, rows_a, sem_a)

        def body(j, carry):
            fire(2 * j + 1, src_b, dst_b, rows_b, sem_b)
            drain(src_a, rows_a, sem_a)
            pltpu.sync_copy(rows_a, aggr_sh.at[dst_a], add=True)
            fire(2 * j + 2, src_a, dst_a, rows_a, sem_a)
            drain(src_b, rows_b, sem_b)
            pltpu.sync_copy(rows_b, aggr_sh.at[dst_b], add=True)
            return carry

        lax.fori_loop(0, (NCHUNKS - 1) // 2, body, 0)
        drain(src_a, rows_a, sem_a)
        pltpu.sync_copy(rows_a, aggr_sh.at[dst_a], add=True)
        plsc.subcore_barrier()

        pltpu.sync_copy(aggr_sh.at[pl.ds(row0, ROWS_PER_TILE)],
                        out_hbm.at[c, pl.ds(row0, ROWS_PER_TILE)])

    return agg(x, src, dst, zeros)


def _mlp(x, p0, p1, W1, b1, W2, b2):
    BLK = 1000

    def body(x_ref, p0_ref, p1_ref, w1_ref, b1_ref, w2_ref, b2_ref, o_ref):
        h = x_ref[...] + p0_ref[...] + p1_ref[...]
        h = jnp.maximum(
            jnp.dot(h, w1_ref[...], preferred_element_type=jnp.float32)
            + b1_ref[...], 0.0)
        o_ref[...] = (
            jnp.dot(h, w2_ref[...], preferred_element_type=jnp.float32)
            + b2_ref[...])

    return pl.pallas_call(
        body,
        grid=(N_NODES // BLK,),
        in_specs=[
            pl.BlockSpec((BLK, D), lambda i: (i, 0)),
            pl.BlockSpec((BLK, D), lambda i: (i, 0)),
            pl.BlockSpec((BLK, D), lambda i: (i, 0)),
            pl.BlockSpec((D, D), lambda i: (0, 0)),
            pl.BlockSpec((1, D), lambda i: (0, 0)),
            pl.BlockSpec((D, D), lambda i: (0, 0)),
            pl.BlockSpec((1, D), lambda i: (0, 0)),
        ],
        out_specs=pl.BlockSpec((BLK, D), lambda i: (i, 0)),
        out_shape=jax.ShapeDtypeStruct((N_NODES, D), jnp.float32),
    )(x, p0, p1, W1, b1.reshape(1, D), W2, b2.reshape(1, D))


def kernel(x, edge_index, W1, b1, W2, b2):
    ei = edge_index.astype(jnp.int32)
    src = ei[0]
    dst = ei[1]
    zeros = jnp.zeros((N_NODES, D), jnp.float32)
    partials = _sc_aggregate(x, src, dst, zeros)
    return _mlp(x, partials[0], partials[1], W1, b1, W2, b2)

# --- scband reference (transcript-rebuilt; emitter-appended) ---
"""Pipeline reference for scband-gin-61607010894468 (READ-ONLY COPY).

The authoritative reference and input builder live on the scoring server;
editing this copy changes nothing except your own understanding.
"""

import jax, jax.numpy as jnp
import numpy as np

N_NODES = 10000
N_EDGES = 320000
D_FEAT = 128
D_HID = 128
EPS = 0.0


def setup_inputs(seed: int = 0) -> dict:
    key = jax.random.key(seed)
    k_x, k_e, k_w1, k_b1, k_w2, k_b2 = jax.random.split(key, 6)
    x = jax.random.normal(k_x, (N_NODES, D_FEAT), dtype=jnp.float32)
    edge_index = jax.random.randint(k_e, (2, N_EDGES), 0, N_NODES, dtype=jnp.int64)
    # MLP parameters (2-layer: D_FEAT -> D_HID -> D_HID with ReLU in between)
    W1 = jax.random.normal(k_w1, (D_FEAT, D_HID), dtype=jnp.float32) * (1.0 / np.sqrt(D_FEAT))
    b1 = jnp.zeros((D_HID,), dtype=jnp.float32)
    W2 = jax.random.normal(k_w2, (D_HID, D_HID), dtype=jnp.float32) * (1.0 / np.sqrt(D_HID))
    b2 = jnp.zeros((D_HID,), dtype=jnp.float32)
    return {"x": x, "edge_index": edge_index, "W1": W1, "b1": b1, "W2": W2, "b2": b2}


def reference(x, edge_index, W1, b1, W2, b2):
    # GIN: h_i = MLP((1 + eps) * x_i + sum_{j in N(i)} x_j)
    src = edge_index[0]
    dst = edge_index[1]
    msg = jnp.take(x, src, axis=0)                       # gather: [E, d]
    aggr = jax.ops.segment_sum(msg, dst, num_segments=x.shape[0])  # scatter-add: [N, d]
    h = (1.0 + EPS) * x + aggr
    h = jnp.maximum(h @ W1 + b1, 0.0)
    h = h @ W2 + b2
    return h

if __name__ == "__main__":
    import jax
    _d = setup_inputs()
    print(jax.jit(kernel)(*tuple(_d.values())))

</pallas_src>

<mosaic_0001>
#map = affine_map<(d0, d1) -> (0, 0)>
#map1 = affine_map<(d0, d1) -> (0)>
#map2 = affine_map<(d0, d1) -> (0, 0, 0)>
module attributes {stable_mosaic.version = 14 : i64} {
  func.func @agg(%arg0: i32, %arg1: i32, %arg2: memref<10000x128xf32, #tpu.memory_space<hbm>>, %arg3: memref<320000xi32, #tpu.memory_space<hbm>>, %arg4: memref<320000xi32, #tpu.memory_space<hbm>>, %arg5: memref<10000x128xf32, #tpu.memory_space<hbm>>, %arg6: memref<2x10000x128xf32, #tpu.memory_space<hbm>>, %arg7: memref<10000xi32, #tpu.memory_space<vmem>>, %arg8: memref<10000xi32, #tpu.memory_space<vmem>>, %arg9: memref<80xi32, #tpu.memory_space<vmem>>, %arg10: memref<80xi32, #tpu.memory_space<vmem>>, %arg11: memref<80xi32, #tpu.memory_space<vmem>>, %arg12: memref<80xi32, #tpu.memory_space<vmem>>, %arg13: memref<80x128xf32, #tpu.memory_space<vmem>>, %arg14: memref<80x128xf32, #tpu.memory_space<vmem>>, %arg15: memref<10000x128xf32, #tpu.memory_space<vmem_shared>>, %arg16: memref<!tpu.dma_semaphore, #tpu.memory_space<semaphore_mem>>, %arg17: memref<!tpu.dma_semaphore, #tpu.memory_space<semaphore_mem>>) attributes {dimension_semantics = [#tpu.dimension_semantics<core_parallel>, #tpu.dimension_semantics<subcore_parallel>], iteration_bounds = array<i64: 2, 16>, scalar_prefetch = 0 : i64, scratch_operands = 11 : i64, tpu.core_type = #tpu.core_type<sc_vector_subcore>, window_params = [{transform_indices = #map}, {transform_indices = #map1}, {transform_indices = #map1}, {transform_indices = #map}, {transform_indices = #map2}]} {
    %mul3A = arith.constant 640 : i32
    %mul3A_0 = arith.muli %arg1, %mul3A : i32
    %min3A = arith.constant 9360 : i32
    %min3A_1 = arith.minsi %mul3A_0, %min3A : i32
    %multiple_of3A = tpu.assume_multiple %min3A_1, 8 : i32
    "tpu.region"() ({
      %run_scoped3A = tpu.sem_alloc : memref<!tpu.dma_semaphore, #tpu.memory_space<semaphore_mem>>
      %dma_start3A_84 = arith.constant 0 : i32
      %dma_start3A_85 = tpu.memref_slice %arg15[%multiple_of3A, %dma_start3A_84] : memref<10000x128xf32, #tpu.memory_space<vmem_shared>> -> memref<640x128xf32, #tpu.memory_space<vmem_shared>>
      %dma_start3A_86 = arith.constant 0 : i32
      %dma_start3A_87 = tpu.memref_slice %arg5[%multiple_of3A, %dma_start3A_86] : memref<10000x128xf32, #tpu.memory_space<hbm>> -> memref<640x128xf32, #tpu.memory_space<hbm>>
      tpu.enqueue_dma source(%dma_start3A_87 : memref<640x128xf32, #tpu.memory_space<hbm>>) target(%dma_start3A_85 : memref<640x128xf32, #tpu.memory_space<vmem_shared>>) target_semaphore(%run_scoped3A : memref<!tpu.dma_semaphore, #tpu.memory_space<semaphore_mem>>)
      %dma_wait3A_88 = arith.constant 0 : i32
      %dma_wait3A_89 = tpu.memref_slice %arg15[%multiple_of3A, %dma_wait3A_88] : memref<10000x128xf32, #tpu.memory_space<vmem_shared>> -> memref<640x128xf32, #tpu.memory_space<vmem_shared>>
      %dma_wait3A_90 = arith.constant 0 : i32
      %dma_wait3A_91 = tpu.memref_slice %arg5[%multiple_of3A, %dma_wait3A_90] : memref<10000x128xf32, #tpu.memory_space<hbm>> -> memref<640x128xf32, #tpu.memory_space<hbm>>
      tpu.wait_dma2 semaphore(%run_scoped3A : memref<!tpu.dma_semaphore, #tpu.memory_space<semaphore_mem>>) src(%dma_wait3A_91 : memref<640x128xf32, #tpu.memory_space<hbm>>) dst(%dma_wait3A_89 : memref<640x128xf32, #tpu.memory_space<vmem_shared>>)
      tpu.yield
    }) : () -> ()
    %mul3A_2 = arith.constant 16 : i32
    %mul3A_3 = arith.muli %arg0, %mul3A_2 : i32
    %add3A = arith.addi %mul3A_3, %arg1 : i32
    %mul3A_4 = arith.constant 10000 : i32
    %mul3A_5 = arith.muli %add3A, %mul3A_4 : i32
    "tpu.region"() ({
      %run_scoped3A = tpu.sem_alloc : memref<!tpu.dma_semaphore, #tpu.memory_space<semaphore_mem>>
      %dma_start3A_84 = tpu.memref_slice %arg3[%mul3A_5] : memref<320000xi32, #tpu.memory_space<hbm>> -> memref<10000xi32, #tpu.memory_space<hbm>>
      %dma_start3A_85 = tpu.memref_slice %arg3[%mul3A_5] : memref<320000xi32, #tpu.memory_space<hbm>> -> memref<10000xi32, #tpu.memory_space<hbm>>
      tpu.enqueue_dma source(%dma_start3A_85 : memref<10000xi32, #tpu.memory_space<hbm>>) target(%arg7 : memref<10000xi32, #tpu.memory_space<vmem>>) target_semaphore(%run_scoped3A : memref<!tpu.dma_semaphore, #tpu.memory_space<semaphore_mem>>)
      %dma_wait3A_86 = tpu.memref_slice %arg3[%mul3A_5] : memref<320000xi32, #tpu.memory_space<hbm>> -> memref<10000xi32, #tpu.memory_space<hbm>>
      %dma_wait3A_87 = tpu.memref_slice %arg3[%mul3A_5] : memref<320000xi32, #tpu.memory_space<hbm>> -> memref<10000xi32, #tpu.memory_space<hbm>>
      tpu.wait_dma2 semaphore(%run_scoped3A : memref<!tpu.dma_semaphore, #tpu.memory_space<semaphore_mem>>) src(%dma_wait3A_87 : memref<10000xi32, #tpu.memory_space<hbm>>) dst(%arg7 : memref<10000xi32, #tpu.memory_space<vmem>>)
      tpu.yield
    }) : () -> ()
    "tpu.region"() ({
      %run_scoped3A = tpu.sem_alloc : memref<!tpu.dma_semaphore, #tpu.memory_space<semaphore_mem>>
      %dma_start3A_84 = tpu.memref_slice %arg4[%mul3A_5] : memref<320000xi32, #tpu.memory_space<hbm>> -> memref<10000xi32, #tpu.memory_space<hbm>>
      %dma_start3A_85 = tpu.memref_slice %arg4[%mul3A_5] : memref<320000xi32, #tpu.memory_space<hbm>> -> memref<10000xi32, #tpu.memory_space<hbm>>
      tpu.enqueue_dma source(%dma_start3A_85 : memref<10000xi32, #tpu.memory_space<hbm>>) target(%arg8 : memref<10000xi32, #tpu.memory_space<vmem>>) target_semaphore(%run_scoped3A : memref<!tpu.dma_semaphore, #tpu.memory_space<semaphore_mem>>)
      %dma_wait3A_86 = tpu.memref_slice %arg4[%mul3A_5] : memref<320000xi32, #tpu.memory_space<hbm>> -> memref<10000xi32, #tpu.memory_space<hbm>>
      %dma_wait3A_87 = tpu.memref_slice %arg4[%mul3A_5] : memref<320000xi32, #tpu.memory_space<hbm>> -> memref<10000xi32, #tpu.memory_space<hbm>>
      tpu.wait_dma2 semaphore(%run_scoped3A : memref<!tpu.dma_semaphore, #tpu.memory_space<semaphore_mem>>) src(%dma_wait3A_87 : memref<10000xi32, #tpu.memory_space<hbm>>) dst(%arg8 : memref<10000xi32, #tpu.memory_space<vmem>>)
      tpu.yield
    }) : () -> ()
    %barrier3A = arith.constant 0 : index
    tpu.barrier barrier_id(%barrier3A)
    %get3A = arith.constant 0 : index
    %get3A_6 = tpu.vector_load %arg7[%get3A] {strides = array<i32>} : memref<10000xi32, #tpu.memory_space<vmem>>, vector<16xi32>,
    %get3A_7 = vector.shape_cast %get3A_6 : vector<16xi32> to vector<16xi32>
    %swap3A = arith.constant 0 : index
    %swap3A_8 = tpu.vector_load %arg9[%swap3A] {strides = array<i32>} : memref<80xi32, #tpu.memory_space<vmem>>, vector<16xi32>,
    %swap3A_9 = vector.shape_cast %swap3A_8 : vector<16xi32> to vector<16xi32>
    %swap3A_10 = vector.shape_cast %get3A_7 : vector<16xi32> to vector<16xi32>
    tpu.vector_store %arg9[%swap3A], %swap3A_10 {strides = array<i32>} : memref<80xi32, #tpu.memory_space<vmem>>, vector<16xi32>,
    %get3A_11 = arith.constant 0 : index
    %get3A_12 = tpu.vector_load %arg8[%get3A_11] {strides = array<i32>} : memref<10000xi32, #tpu.memory_space<vmem>>, vector<16xi32>,
    %get3A_13 = vector.shape_cast %get3A_12 : vector<16xi32> to vector<16xi32>
    %swap3A_14 = arith.constant 0 : index
    %swap3A_15 = tpu.vector_load %arg11[%swap3A_14] {strides = array<i32>} : memref<80xi32, #tpu.memory_space<vmem>>, vector<16xi32>,
    %swap3A_16 = vector.shape_cast %swap3A_15 : vector<16xi32> to vector<16xi32>
    %swap3A_17 = vector.shape_cast %get3A_13 : vector<16xi32> to vector<16xi32>
    tpu.vector_store %arg11[%swap3A_14], %swap3A_17 {strides = array<i32>} : memref<80xi32, #tpu.memory_space<vmem>>, vector<16xi32>,
    %get3A_18 = arith.constant 16 : index
    %get3A_19 = tpu.vector_load %arg7[%get3A_18] {strides = array<i32>} : memref<10000xi32, #tpu.memory_space<vmem>>, vector<16xi32>,
    %get3A_20 = vector.shape_cast %get3A_19 : vector<16xi32> to vector<16xi32>
    %swap3A_21 = arith.constant 16 : index
    %swap3A_22 = tpu.vector_load %arg9[%swap3A_21] {strides = array<i32>} : memref<80xi32, #tpu.memory_space<vmem>>, vector<16xi32>,
    %swap3A_23 = vector.shape_cast %swap3A_22 : vector<16xi32> to vector<16xi32>
    %swap3A_24 = vector.shape_cast %get3A_20 : vector<16xi32> to vector<16xi32>
    tpu.vector_store %arg9[%swap3A_21], %swap3A_24 {strides = array<i32>} : memref<80xi32, #tpu.memory_space<vmem>>, vector<16xi32>,
    %get3A_25 = arith.constant 16 : index
    %get3A_26 = tpu.vector_load %arg8[%get3A_25] {strides = array<i32>} : memref<10000xi32, #tpu.memory_space<vmem>>, vector<16xi32>,
    %get3A_27 = vector.shape_cast %get3A_26 : vector<16xi32> to vector<16xi32>
    %swap3A_28 = arith.constant 16 : index
    %swap3A_29 = tpu.vector_load %arg11[%swap3A_28] {strides = array<i32>} : memref<80xi32, #tpu.memory_space<vmem>>, vector<16xi32>,
    %swap3A_30 = vector.shape_cast %swap3A_29 : vector<16xi32> to vector<16xi32>
    %swap3A_31 = vector.shape_cast %get3A_27 : vector<16xi32> to vector<16xi32>
    tpu.vector_store %arg11[%swap3A_28], %swap3A_31 {strides = array<i32>} : memref<80xi32, #tpu.memory_space<vmem>>, vector<16xi32>,
    %get3A_32 = arith.constant 32 : index
    %get3A_33 = tpu.vector_load %arg7[%get3A_32] {strides = array<i32>} : memref<10000xi32, #tpu.memory_space<vmem>>, vector<16xi32>,
    %get3A_34 = vector.shape_cast %get3A_33 : vector<16xi32> to vector<16xi32>
    %swap3A_35 = arith.constant 32 : index
    %swap3A_36 = tpu.vector_load %arg9[%swap3A_35] {strides = array<i32>} : memref<80xi32, #tpu.memory_space<vmem>>, vector<16xi32>,
    %swap3A_37 = vector.shape_cast %swap3A_36 : vector<16xi32> to vector<16xi32>
    %swap3A_38 = vector.shape_cast %get3A_34 : vector<16xi32> to vector<16xi32>
    tpu.vector_store %arg9[%swap3A_35], %swap3A_38 {strides = array<i32>} : memref<80xi32, #tpu.memory_space<vmem>>, vector<16xi32>,
    %get3A_39 = arith.constant 32 : index
    %get3A_40 = tpu.vector_load %arg8[%get3A_39] {strides = array<i32>} : memref<10000xi32, #tpu.memory_space<vmem>>, vector<16xi32>,
    %get3A_41 = vector.shape_cast %get3A_40 : vector<16xi32> to vector<16xi32>
    %swap3A_42 = arith.constant 32 : index
    %swap3A_43 = tpu.vector_load %arg11[%swap3A_42] {strides = array<i32>} : memref<80xi32, #tpu.memory_space<vmem>>, vector<16xi32>,
    %swap3A_44 = vector.shape_cast %swap3A_43 : vector<16xi32> to vector<16xi32>
    %swap3A_45 = vector.shape_cast %get3A_41 : vector<16xi32> to vector<16xi32>
    tpu.vector_store %arg11[%swap3A_42], %swap3A_45 {strides = array<i32>} : memref<80xi32, #tpu.memory_space<vmem>>, vector<16xi32>,
    %get3A_46 = arith.constant 48 : index
    %get3A_47 = tpu.vector_load %arg7[%get3A_46] {strides = array<i32>} : memref<10000xi32, #tpu.memory_space<vmem>>, vector<16xi32>,
    %get3A_48 = vector.shape_cast %get3A_47 : vector<16xi32> to vector<16xi32>
    %swap3A_49 = arith.constant 48 : index
    %swap3A_50 = tpu.vector_load %arg9[%swap3A_49] {strides = array<i32>} : memref<80xi32, #tpu.memory_space<vmem>>, vector<16xi32>,
    %swap3A_51 = vector.shape_cast %swap3A_50 : vector<16xi32> to vector<16xi32>
    %swap3A_52 = vector.shape_cast %get3A_48 : vector<16xi32> to vector<16xi32>
    tpu.vector_store %arg9[%swap3A_49], %swap3A_52 {strides = array<i32>} : memref<80xi32, #tpu.memory_space<vmem>>, vector<16xi32>,
    %get3A_53 = arith.constant 48 : index
    %get3A_54 = tpu.vector_load %arg8[%get3A_53] {strides = array<i32>} : memref<10000xi32, #tpu.memory_space<vmem>>, vector<16xi32>,
    %get3A_55 = vector.shape_cast %get3A_54 : vector<16xi32> to vector<16xi32>
    %swap3A_56 = arith.constant 48 : index
    %swap3A_57 = tpu.vector_load %arg11[%swap3A_56] {strides = array<i32>} : memref<80xi32, #tpu.memory_space<vmem>>, vector<16xi32>,
    %swap3A_58 = vector.shape_cast %swap3A_57 : vector<16xi32> to vector<16xi32>
    %swap3A_59 = vector.shape_cast %get3A_55 : vector<16xi32> to vector<16xi32>
    tpu.vector_store %arg11[%swap3A_56], %swap3A_59 {strides = array<i32>} : memref<80xi32, #tpu.memory_space<vmem>>, vector<16xi32>,
    %get3A_60 = arith.constant 64 : index
    %get3A_61 = tpu.vector_load %arg7[%get3A_60] {strides = array<i32>} : memref<10000xi32, #tpu.memory_space<vmem>>, vector<16xi32>,
    %get3A_62 = vector.shape_cast %get3A_61 : vector<16xi32> to vector<16xi32>
    %swap3A_63 = arith.constant 64 : index
    %swap3A_64 = tpu.vector_load %arg9[%swap3A_63] {strides = array<i32>} : memref<80xi32, #tpu.memory_space<vmem>>, vector<16xi32>,
    %swap3A_65 = vector.shape_cast %swap3A_64 : vector<16xi32> to vector<16xi32>
    %swap3A_66 = vector.shape_cast %get3A_62 : vector<16xi32> to vector<16xi32>
    tpu.vector_store %arg9[%swap3A_63], %swap3A_66 {strides = array<i32>} : memref<80xi32, #tpu.memory_space<vmem>>, vector<16xi32>,
    %get3A_67 = arith.constant 64 : index
    %get3A_68 = tpu.vector_load %arg8[%get3A_67] {strides = array<i32>} : memref<10000xi32, #tpu.memory_space<vmem>>, vector<16xi32>,
    %get3A_69 = vector.shape_cast %get3A_68 : vector<16xi32> to vector<16xi32>
    %swap3A_70 = arith.constant 64 : index
    %swap3A_71 = tpu.vector_load %arg11[%swap3A_70] {strides = array<i32>} : memref<80xi32, #tpu.memory_space<vmem>>, vector<16xi32>,
    %swap3A_72 = vector.shape_cast %swap3A_71 : vector<16xi32> to vector<16xi32>
    %swap3A_73 = vector.shape_cast %get3A_69 : vector<16xi32> to vector<16xi32>
    tpu.vector_store %arg11[%swap3A_70], %swap3A_73 {strides = array<i32>} : memref<80xi32, #tpu.memory_space<vmem>>, vector<16xi32>,
    %dma_start3A = arith.constant 0 : i32
    %dma_start3A_74 = arith.constant 0 : i32
    %dma_start3A_75 = tpu.memref_slice %arg2[%dma_start3A, %dma_start3A_74] : memref<10000x128xf32, #tpu.memory_space<hbm>> -> memref<10000x128xf32, #tpu.memory_space<hbm>>
    tpu.enqueue_indirect_dma source(%dma_start3A_75 : memref<10000x128xf32, #tpu.memory_space<hbm>>) target(%arg13 : memref<80x128xf32, #tpu.memory_space<vmem>>) offsets(%arg9 : memref<80xi32, #tpu.memory_space<vmem>>) semaphore(%arg16 : memref<!tpu.dma_semaphore, #tpu.memory_space<semaphore_mem>>)
    %scan3A = arith.constant 0 : i32
    %scan3A_76 = arith.constant 0 : i32
    %scan3A_77 = arith.constant 62 : i32
    %scan3A_78 = arith.addi %scan3A_76, %scan3A_77 : i32
    %scan3A_79 = arith.constant 1 : i32
    scf.for %scan3A_84 = %scan3A_76 to %scan3A_78 step %scan3A_79  : i32 {
      %mul3A_85 = arith.constant 2 : i32
      %mul3A_86 = arith.muli %mul3A_85, %scan3A_84 : i32
      %add3A_87 = arith.constant 1 : i32
      %add3A_88 = arith.addi %mul3A_86, %add3A_87 : i32
      %mul3A_89 = arith.constant 80 : i32
      %mul3A_90 = arith.muli %add3A_88, %mul3A_89 : i32
      %add3A_91 = arith.constant 0 : i32
      %add3A_92 = arith.addi %mul3A_90, %add3A_91 : i32
      %get3A_93 = arith.index_cast %add3A_92 : i32 to index
      %get3A_94 = tpu.vector_load %arg7[%get3A_93] {strides = array<i32>} : memref<10000xi32, #tpu.memory_space<vmem>>, vector<16xi32>,
      %get3A_95 = vector.shape_cast %get3A_94 : vector<16xi32> to vector<16xi32>
      %swap3A_96 = arith.constant 0 : index
      %swap3A_97 = tpu.vector_load %arg10[%swap3A_96] {strides = array<i32>} : memref<80xi32, #tpu.memory_space<vmem>>, vector<16xi32>,
      %swap3A_98 = vector.shape_cast %swap3A_97 : vector<16xi32> to vector<16xi32>
      %swap3A_99 = vector.shape_cast %get3A_95 : vector<16xi32> to vector<16xi32>
      tpu.vector_store %arg10[%swap3A_96], %swap3A_99 {strides = array<i32>} : memref<80xi32, #tpu.memory_space<vmem>>, vector<16xi32>,
      %add3A_100 = arith.constant 0 : i32
      %add3A_101 = arith.addi %mul3A_90, %add3A_100 : i32
      %get3A_102 = arith.index_cast %add3A_101 : i32 to index
      %get3A_103 = tpu.vector_load %arg8[%get3A_102] {strides = array<i32>} : memref<10000xi32, #tpu.memory_space<vmem>>, vector<16xi32>,
      %get3A_104 = vector.shape_cast %get3A_103 : vector<16xi32> to vector<16xi32>
      %swap3A_105 = arith.constant 0 : index
      %swap3A_106 = tpu.vector_load %arg12[%swap3A_105] {strides = array<i32>} : memref<80xi32, #tpu.memory_space<vmem>>, vector<16xi32>,
      %swap3A_107 = vector.shape_cast %swap3A_106 : vector<16xi32> to vector<16xi32>
      %swap3A_108 = vector.shape_cast %get3A_104 : vector<16xi32> to vector<16xi32>
      tpu.vector_store %arg12[%swap3A_105], %swap3A_108 {strides = array<i32>} : memref<80xi32, #tpu.memory_space<vmem>>, vector<16xi32>,
      %add3A_109 = arith.constant 16 : i32
      %add3A_110 = arith.addi %mul3A_90, %add3A_109 : i32
      %get3A_111 = arith.index_cast %add3A_110 : i32 to index
      %get3A_112 = tpu.vector_load %arg7[%get3A_111] {strides = array<i32>} : memref<10000xi32, #tpu.memory_space<vmem>>, vector<16xi32>,
      %get3A_113 = vector.shape_cast %get3A_112 : vector<16xi32> to vector<16xi32>
      %swap3A_114 = arith.constant 16 : index
      %swap3A_115 = tpu.vector_load %arg10[%swap3A_114] {strides = array<i32>} : memref<80xi32, #tpu.memory_space<vmem>>, vector<16xi32>,
      %swap3A_116 = vector.shape_cast %swap3A_115 : vector<16xi32> to vector<16xi32>
      %swap3A_117 = vector.shape_cast %get3A_113 : vector<16xi32> to vector<16xi32>
      tpu.vector_store %arg10[%swap3A_114], %swap3A_117 {strides = array<i32>} : memref<80xi32, #tpu.memory_space<vmem>>, vector<16xi32>,
      %add3A_118 = arith.constant 16 : i32
      %add3A_119 = arith.addi %mul3A_90, %add3A_118 : i32
      %get3A_120 = arith.index_cast %add3A_119 : i32 to index
      %get3A_121 = tpu.vector_load %arg8[%get3A_120] {strides = array<i32>} : memref<10000xi32, #tpu.memory_space<vmem>>, vector<16xi32>,
      %get3A_122 = vector.shape_cast %get3A_121 : vector<16xi32> to vector<16xi32>
      %swap3A_123 = arith.constant 16 : index
      %swap3A_124 = tpu.vector_load %arg12[%swap3A_123] {strides = array<i32>} : memref<80xi32, #tpu.memory_space<vmem>>, vector<16xi32>,
      %swap3A_125 = vector.shape_cast %swap3A_124 : vector<16xi32> to vector<16xi32>
      %swap3A_126 = vector.shape_cast %get3A_122 : vector<16xi32> to vector<16xi32>
      tpu.vector_store %arg12[%swap3A_123], %swap3A_126 {strides = array<i32>} : memref<80xi32, #tpu.memory_space<vmem>>, vector<16xi32>,
      %add3A_127 = arith.constant 32 : i32
      %add3A_128 = arith.addi %mul3A_90, %add3A_127 : i32
      %get3A_129 = arith.index_cast %add3A_128 : i32 to index
      %get3A_130 = tpu.vector_load %arg7[%get3A_129] {strides = array<i32>} : memref<10000xi32, #tpu.memory_space<vmem>>, vector<16xi32>,
      %get3A_131 = vector.shape_cast %get3A_130 : vector<16xi32> to vector<16xi32>
      %swap3A_132 = arith.constant 32 : index
      %swap3A_133 = tpu.vector_load %arg10[%swap3A_132] {strides = array<i32>} : memref<80xi32, #tpu.memory_space<vmem>>, vector<16xi32>,
      %swap3A_134 = vector.shape_cast %swap3A_133 : vector<16xi32> to vector<16xi32>
      %swap3A_135 = vector.shape_cast %get3A_131 : vector<16xi32> to vector<16xi32>
      tpu.vector_store %arg10[%swap3A_132], %swap3A_135 {strides = array<i32>} : memref<80xi32, #tpu.memory_space<vmem>>, vector<16xi32>,
      %add3A_136 = arith.constant 32 : i32
      %add3A_137 = arith.addi %mul3A_90, %add3A_136 : i32
      %get3A_138 = arith.index_cast %add3A_137 : i32 to index
      %get3A_139 = tpu.vector_load %arg8[%get3A_138] {strides = array<i32>} : memref<10000xi32, #tpu.memory_space<vmem>>, vector<16xi32>,
      %get3A_140 = vector.shape_cast %get3A_139 : vector<16xi32> to vector<16xi32>
      %swap3A_141 = arith.constant 32 : index
      %swap3A_142 = tpu.vector_load %arg12[%swap3A_141] {strides = array<i32>} : memref<80xi32, #tpu.memory_space<vmem>>, vector<16xi32>,
      %swap3A_143 = vector.shape_cast %swap3A_142 : vector<16xi32> to vector<16xi32>
      %swap3A_144 = vector.shape_cast %get3A_140 : vector<16xi32> to vector<16xi32>
      tpu.vector_store %arg12[%swap3A_141], %swap3A_144 {strides = array<i32>} : memref<80xi32, #tpu.memory_space<vmem>>, vector<16xi32>,
      %add3A_145 = arith.constant 48 : i32
      %add3A_146 = arith.addi %mul3A_90, %add3A_145 : i32
      %get3A_147 = arith.index_cast %add3A_146 : i32 to index
      %get3A_148 = tpu.vector_load %arg7[%get3A_147] {strides = array<i32>} : memref<10000xi32, #tpu.memory_space<vmem>>, vector<16xi32>,
      %get3A_149 = vector.shape_cast %get3A_148 : vector<16xi32> to vector<16xi32>
      %swap3A_150 = arith.constant 48 : index
      %swap3A_151 = tpu.vector_load %arg10[%swap3A_150] {strides = array<i32>} : memref<80xi32, #tpu.memory_space<vmem>>, vector<16xi32>,
      %swap3A_152 = vector.shape_cast %swap3A_151 : vector<16xi32> to vector<16xi32>
      %swap3A_153 = vector.shape_cast %get3A_149 : vector<16xi32> to vector<16xi32>
      tpu.vector_store %arg10[%swap3A_150], %swap3A_153 {strides = array<i32>} : memref<80xi32, #tpu.memory_space<vmem>>, vector<16xi32>,
      %add3A_154 = arith.constant 48 : i32
      %add3A_155 = arith.addi %mul3A_90, %add3A_154 : i32
      %get3A_156 = arith.index_cast %add3A_155 : i32 to index
      %get3A_157 = tpu.vector_load %arg8[%get3A_156] {strides = array<i32>} : memref<10000xi32, #tpu.memory_space<vmem>>, vector<16xi32>,
      %get3A_158 = vector.shape_cast %get3A_157 : vector<16xi32> to vector<16xi32>
      %swap3A_159 = arith.constant 48 : index
      %swap3A_160 = tpu.vector_load %arg12[%swap3A_159] {strides = array<i32>} : memref<80xi32, #tpu.memory_space<vmem>>, vector<16xi32>,
      %swap3A_161 = vector.shape_cast %swap3A_160 : vector<16xi32> to vector<16xi32>
      %swap3A_162 = vector.shape_cast %get3A_158 : vector<16xi32> to vector<16xi32>
      tpu.vector_store %arg12[%swap3A_159], %swap3A_162 {strides = array<i32>} : memref<80xi32, #tpu.memory_space<vmem>>, vector<16xi32>,
      %add3A_163 = arith.constant 64 : i32
      %add3A_164 = arith.addi %mul3A_90, %add3A_163 : i32
      %get3A_165 = arith.index_cast %add3A_164 : i32 to index
      %get3A_166 = tpu.vector_load %arg7[%get3A_165] {strides = array<i32>} : memref<10000xi32, #tpu.memory_space<vmem>>, vector<16xi32>,
      %get3A_167 = vector.shape_cast %get3A_166 : vector<16xi32> to vector<16xi32>
      %swap3A_168 = arith.constant 64 : index
      %swap3A_169 = tpu.vector_load %arg10[%swap3A_168] {strides = array<i32>} : memref<80xi32, #tpu.memory_space<vmem>>, vector<16xi32>,
      %swap3A_170 = vector.shape_cast %swap3A_169 : vector<16xi32> to vector<16xi32>
      %swap3A_171 = vector.shape_cast %get3A_167 : vector<16xi32> to vector<16xi32>
      tpu.vector_store %arg10[%swap3A_168], %swap3A_171 {strides = array<i32>} : memref<80xi32, #tpu.memory_space<vmem>>, vector<16xi32>,
      %add3A_172 = arith.constant 64 : i32
      %add3A_173 = arith.addi %mul3A_90, %add3A_172 : i32
      %get3A_174 = arith.index_cast %add3A_173 : i32 to index
      %get3A_175 = tpu.vector_load %arg8[%get3A_174] {strides = array<i32>} : memref<10000xi32, #tpu.memory_space<vmem>>, vector<16xi32>,
      %get3A_176 = vector.shape_cast %get3A_175 : vector<16xi32> to vector<16xi32>
      %swap3A_177 = arith.constant 64 : index
      %swap3A_178 = tpu.vector_load %arg12[%swap3A_177] {strides = array<i32>} : memref<80xi32, #tpu.memory_space<vmem>>, vector<16xi32>,
      %swap3A_179 = vector.shape_cast %swap3A_178 : vector<16xi32> to vector<16xi32>
      %swap3A_180 = vector.shape_cast %get3A_176 : vector<16xi32> to vector<16xi32>
      tpu.vector_store %arg12[%swap3A_177], %swap3A_180 {strides = array<i32>} : memref<80xi32, #tpu.memory_space<vmem>>, vector<16xi32>,
      %dma_start3A_181 = arith.constant 0 : i32
      %dma_start3A_182 = arith.constant 0 : i32
      %dma_start3A_183 = tpu.memref_slice %arg2[%dma_start3A_181, %dma_start3A_182] : memref<10000x128xf32, #tpu.memory_space<hbm>> -> memref<10000x128xf32, #tpu.memory_space<hbm>>
      tpu.enqueue_indirect_dma source(%dma_start3A_183 : memref<10000x128xf32, #tpu.memory_space<hbm>>) target(%arg14 : memref<80x128xf32, #tpu.memory_space<vmem>>) offsets(%arg10 : memref<80xi32, #tpu.memory_space<vmem>>) semaphore(%arg17 : memref<!tpu.dma_semaphore, #tpu.memory_space<semaphore_mem>>)
      %dma_wait3A_184 = arith.constant 0 : i32
      %dma_wait3A_185 = arith.constant 0 : i32
      %dma_wait3A_186 = tpu.memref_slice %arg2[%dma_wait3A_184, %dma_wait3A_185] : memref<10000x128xf32, #tpu.memory_space<hbm>> -> memref<10000x128xf32, #tpu.memory_space<hbm>>
      tpu.wait_indirect_dma semaphore(%arg16 : memref<!tpu.dma_semaphore, #tpu.memory_space<semaphore_mem>>) src(%dma_wait3A_186 : memref<10000x128xf32, #tpu.memory_space<hbm>>) dst(%arg13 : memref<80x128xf32, #tpu.memory_space<vmem>>)
      "tpu.region"() ({
        %run_scoped3A = tpu.sem_alloc : memref<!tpu.dma_semaphore, #tpu.memory_space<semaphore_mem>>
        %dma_start3A_289 = arith.constant 0 : i32
        %dma_start3A_290 = arith.constant 0 : i32
        %dma_start3A_291 = tpu.memref_slice %arg15[%dma_start3A_289, %dma_start3A_290] : memref<10000x128xf32, #tpu.memory_space<vmem_shared>> -> memref<10000x128xf32, #tpu.memory_space<vmem_shared>>
        tpu.enqueue_indirect_dma source(%arg13 : memref<80x128xf32, #tpu.memory_space<vmem>>) target(%dma_start3A_291 : memref<10000x128xf32, #tpu.memory_space<vmem_shared>>) offsets(%arg11 : memref<80xi32, #tpu.memory_space<vmem>>) semaphore(%run_scoped3A : memref<!tpu.dma_semaphore, #tpu.memory_space<semaphore_mem>>) {add = true}
        %dma_wait3A_292 = arith.constant 0 : i32
        %dma_wait3A_293 = arith.constant 0 : i32
        %dma_wait3A_294 = tpu.memref_slice %arg15[%dma_wait3A_292, %dma_wait3A_293] : memref<10000x128xf32, #tpu.memory_space<vmem_shared>> -> memref<10000x128xf32, #tpu.memory_space<vmem_shared>>
        tpu.wait_indirect_dma semaphore(%run_scoped3A : memref<!tpu.dma_semaphore, #tpu.memory_space<semaphore_mem>>) src(%arg13 : memref<80x128xf32, #tpu.memory_space<vmem>>) dst(%dma_wait3A_294 : memref<10000x128xf32, #tpu.memory_space<vmem_shared>>)
        tpu.yield
      }) : () -> ()
      %mul3A_187 = arith.constant 2 : i32
      %mul3A_188 = arith.muli %mul3A_187, %scan3A_84 : i32
      %add3A_189 = arith.constant 2 : i32
      %add3A_190 = arith.addi %mul3A_188, %add3A_189 : i32
      %mul3A_191 = arith.constant 80 : i32
      %mul3A_192 = arith.muli %add3A_190, %mul3A_191 : i32
      %add3A_193 = arith.constant 0 : i32
      %add3A_194 = arith.addi %mul3A_192, %add3A_193 : i32
      %get3A_195 = arith.index_cast %add3A_194 : i32 to index
      %get3A_196 = tpu.vector_load %arg7[%get3A_195] {strides = array<i32>} : memref<10000xi32, #tpu.memory_space<vmem>>, vector<16xi32>,
      %get3A_197 = vector.shape_cast %get3A_196 : vector<16xi32> to vector<16xi32>
      %swap3A_198 = arith.constant 0 : index
      %swap3A_199 = tpu.vector_load %arg9[%swap3A_198] {strides = array<i32>} : memref<80xi32, #tpu.memory_space<vmem>>, vector<16xi32>,
      %swap3A_200 = vector.shape_cast %swap3A_199 : vector<16xi32> to vector<16xi32>
      %swap3A_201 = vector.shape_cast %get3A_197 : vector<16xi32> to vector<16xi32>
      tpu.vector_store %arg9[%swap3A_198], %swap3A_201 {strides = array<i32>} : memref<80xi32, #tpu.memory_space<vmem>>, vector<16xi32>,
      %add3A_202 = arith.constant 0 : i32
      %add3A_203 = arith.addi %mul3A_192, %add3A_202 : i32
      %get3A_204 = arith.index_cast %add3A_203 : i32 to index
      %get3A_205 = tpu.vector_load %arg8[%get3A_204] {strides = array<i32>} : memref<10000xi32, #tpu.memory_space<vmem>>, vector<16xi32>,
      %get3A_206 = vector.shape_cast %get3A_205 : vector<16xi32> to vector<16xi32>
      %swap3A_207 = arith.constant 0 : index
      %swap3A_208 = tpu.vector_load %arg11[%swap3A_207] {strides = array<i32>} : memref<80xi32, #tpu.memory_space<vmem>>, vector<16xi32>,
      %swap3A_209 = vector.shape_cast %swap3A_208 : vector<16xi32> to vector<16xi32>
      %swap3A_210 = vector.shape_cast %get3A_206 : vector<16xi32> to vector<16xi32>
      tpu.vector_store %arg11[%swap3A_207], %swap3A_210 {strides = array<i32>} : memref<80xi32, #tpu.memory_space<vmem>>, vector<16xi32>,
      %add3A_211 = arith.constant 16 : i32
      %add3A_212 = arith.addi %mul3A_192, %add3A_211 : i32
      %get3A_213 = arith.index_cast %add3A_212 : i32 to index
      %get3A_214 = tpu.vector_load %arg7[%get3A_213] {strides = array<i32>} : memref<10000xi32, #tpu.memory_space<vmem>>, vector<16xi32>,
      %get3A_215 = vector.shape_cast %get3A_214 : vector<16xi32> to vector<16xi32>
      %swap3A_216 = arith.constant 16 : index
      %swap3A_217 = tpu.vector_load %arg9[%swap3A_216] {strides = array<i32>} : memref<80xi32, #tpu.memory_space<vmem>>, vector<16xi32>,
      %swap3A_218 = vector.shape_cast %swap3A_217 : vector<16xi32> to vector<16xi32>
      %swap3A_219 = vector.shape_cast %get3A_215 : vector<16xi32> to vector<16xi32>
      tpu.vector_store %arg9[%swap3A_216], %swap3A_219 {strides = array<i32>} : memref<80xi32, #tpu.memory_space<vmem>>, vector<16xi32>,
      %add3A_220 = arith.constant 16 : i32
      %add3A_221 = arith.addi %mul3A_192, %add3A_220 : i32
      %get3A_222 = arith.index_cast %add3A_221 : i32 to index
      %get3A_223 = tpu.vector_load %arg8[%get3A_222] {strides = array<i32>} : memref<10000xi32, #tpu.memory_space<vmem>>, vector<16xi32>,
      %get3A_224 = vector.shape_cast %get3A_223 : vector<16xi32> to vector<16xi32>
      %swap3A_225 = arith.constant 16 : index
      %swap3A_226 = tpu.vector_load %arg11[%swap3A_225] {strides = array<i32>} : memref<80xi32, #tpu.memory_space<vmem>>, vector<16xi32>,
      %swap3A_227 = vector.shape_cast %swap3A_226 : vector<16xi32> to vector<16xi32>
      %swap3A_228 = vector.shape_cast %get3A_224 : vector<16xi32> to vector<16xi32>
      tpu.vector_store %arg11[%swap3A_225], %swap3A_228 {strides = array<i32>} : memref<80xi32, #tpu.memory_space<vmem>>, vector<16xi32>,
      %add3A_229 = arith.constant 32 : i32
      %add3A_230 = arith.addi %mul3A_192, %add3A_229 : i32
      %get3A_231 = arith.index_cast %add3A_230 : i32 to index
      %get3A_232 = tpu.vector_load %arg7[%get3A_231] {strides = array<i32>} : memref<10000xi32, #tpu.memory_space<vmem>>, vector<16xi32>,
      %get3A_233 = vector.shape_cast %get3A_232 : vector<16xi32> to vector<16xi32>
      %swap3A_234 = arith.constant 32 : index
      %swap3A_235 = tpu.vector_load %arg9[%swap3A_234] {strides = array<i32>} : memref<80xi32, #tpu.memory_space<vmem>>, vector<16xi32>,
      %swap3A_236 = vector.shape_cast %swap3A_235 : vector<16xi32> to vector<16xi32>
      %swap3A_237 = vector.shape_cast %get3A_233 : vector<16xi32> to vector<16xi32>
      tpu.vector_store %arg9[%swap3A_234], %swap3A_237 {strides = array<i32>} : memref<80xi32, #tpu.memory_space<vmem>>, vector<16xi32>,
      %add3A_238 = arith.constant 32 : i32
      %add3A_239 = arith.addi %mul3A_192, %add3A_238 : i32
      %get3A_240 = arith.index_cast %add3A_239 : i32 to index
      %get3A_241 = tpu.vector_load %arg8[%get3A_240] {strides = array<i32>} : memref<10000xi32, #tpu.memory_space<vmem>>, vector<16xi32>,
      %get3A_242 = vector.shape_cast %get3A_241 : vector<16xi32> to vector<16xi32>
      %swap3A_243 = arith.constant 32 : index
      %swap3A_244 = tpu.vector_load %arg11[%swap3A_243] {strides = array<i32>} : memref<80xi32, #tpu.memory_space<vmem>>, vector<16xi32>,
      %swap3A_245 = vector.shape_cast %swap3A_244 : vector<16xi32> to vector<16xi32>
      %swap3A_246 = vector.shape_cast %get3A_242 : vector<16xi32> to vector<16xi32>
      tpu.vector_store %arg11[%swap3A_243], %swap3A_246 {strides = array<i32>} : memref<80xi32, #tpu.memory_space<vmem>>, vector<16xi32>,
      %add3A_247 = arith.constant 48 : i32
      %add3A_248 = arith.addi %mul3A_192, %add3A_247 : i32
      %get3A_249 = arith.index_cast %add3A_248 : i32 to index
      %get3A_250 = tpu.vector_load %arg7[%get3A_249] {strides = array<i32>} : memref<10000xi32, #tpu.memory_space<vmem>>, vector<16xi32>,
      %get3A_251 = vector.shape_cast %get3A_250 : vector<16xi32> to vector<16xi32>
      %swap3A_252 = arith.constant 48 : index
      %swap3A_253 = tpu.vector_load %arg9[%swap3A_252] {strides = array<i32>} : memref<80xi32, #tpu.memory_space<vmem>>, vector<16xi32>,
      %swap3A_254 = vector.shape_cast %swap3A_253 : vector<16xi32> to vector<16xi32>
      %swap3A_255 = vector.shape_cast %get3A_251 : vector<16xi32> to vector<16xi32>
      tpu.vector_store %arg9[%swap3A_252], %swap3A_255 {strides = array<i32>} : memref<80xi32, #tpu.memory_space<vmem>>, vector<16xi32>,
      %add3A_256 = arith.constant 48 : i32
      %add3A_257 = arith.addi %mul3A_192, %add3A_256 : i32
      %get3A_258 = arith.index_cast %add3A_257 : i32 to index
      %get3A_259 = tpu.vector_load %arg8[%get3A_258] {strides = array<i32>} : memref<10000xi32, #tpu.memory_space<vmem>>, vector<16xi32>,
      %get3A_260 = vector.shape_cast %get3A_259 : vector<16xi32> to vector<16xi32>
      %swap3A_261 = arith.constant 48 : index
      %swap3A_262 = tpu.vector_load %arg11[%swap3A_261] {strides = array<i32>} : memref<80xi32, #tpu.memory_space<vmem>>, vector<16xi32>,
      %swap3A_263 = vector.shape_cast %swap3A_262 : vector<16xi32> to vector<16xi32>
      %swap3A_264 = vector.shape_cast %get3A_260 : vector<16xi32> to vector<16xi32>
      tpu.vector_store %arg11[%swap3A_261], %swap3A_264 {strides = array<i32>} : memref<80xi32, #tpu.memory_space<vmem>>, vector<16xi32>,
      %add3A_265 = arith.constant 64 : i32
      %add3A_266 = arith.addi %mul3A_192, %add3A_265 : i32
      %get3A_267 = arith.index_cast %add3A_266 : i32 to index
      %get3A_268 = tpu.vector_load %arg7[%get3A_267] {strides = array<i32>} : memref<10000xi32, #tpu.memory_space<vmem>>, vector<16xi32>,
      %get3A_269 = vector.shape_cast %get3A_268 : vector<16xi32> to vector<16xi32>
      %swap3A_270 = arith.constant 64 : index
      %swap3A_271 = tpu.vector_load %arg9[%swap3A_270] {strides = array<i32>} : memref<80xi32, #tpu.memory_space<vmem>>, vector<16xi32>,
      %swap3A_272 = vector.shape_cast %swap3A_271 : vector<16xi32> to vector<16xi32>
      %swap3A_273 = vector.shape_cast %get3A_269 : vector<16xi32> to vector<16xi32>
      tpu.vector_store %arg9[%swap3A_270], %swap3A_273 {strides = array<i32>} : memref<80xi32, #tpu.memory_space<vmem>>, vector<16xi32>,
      %add3A_274 = arith.constant 64 : i32
      %add3A_275 = arith.addi %mul3A_192, %add3A_274 : i32
      %get3A_276 = arith.index_cast %add3A_275 : i32 to index
      %get3A_277 = tpu.vector_load %arg8[%get3A_276] {strides = array<i32>} : memref<10000xi32, #tpu.memory_space<vmem>>, vector<16xi32>,
      %get3A_278 = vector.shape_cast %get3A_277 : vector<16xi32> to vector<16xi32>
      %swap3A_279 = arith.constant 64 : index
      %swap3A_280 = tpu.vector_load %arg11[%swap3A_279] {strides = array<i32>} : memref<80xi32, #tpu.memory_space<vmem>>, vector<16xi32>,
      %swap3A_281 = vector.shape_cast %swap3A_280 : vector<16xi32> to vector<16xi32>
      %swap3A_282 = vector.shape_cast %get3A_278 : vector<16xi32> to vector<16xi32>
      tpu.vector_store %arg11[%swap3A_279], %swap3A_282 {strides = array<i32>} : memref<80xi32, #tpu.memory_space<vmem>>, vector<16xi32>,
      %dma_start3A_283 = arith.constant 0 : i32
      %dma_start3A_284 = arith.constant 0 : i32
      %dma_start3A_285 = tpu.memref_slice %arg2[%dma_start3A_283, %dma_start3A_284] : memref<10000x128xf32, #tpu.memory_space<hbm>> -> memref<10000x128xf32, #tpu.memory_space<hbm>>
      tpu.enqueue_indirect_dma source(%dma_start3A_285 : memref<10000x128xf32, #tpu.memory_space<hbm>>) target(%arg13 : memref<80x128xf32, #tpu.memory_space<vmem>>) offsets(%arg9 : memref<80xi32, #tpu.memory_space<vmem>>) semaphore(%arg16 : memref<!tpu.dma_semaphore, #tpu.memory_space<semaphore_mem>>)
      %dma_wait3A_286 = arith.constant 0 : i32
      %dma_wait3A_287 = arith.constant 0 : i32
      %dma_wait3A_288 = tpu.memref_slice %arg2[%dma_wait3A_286, %dma_wait3A_287] : memref<10000x128xf32, #tpu.memory_space<hbm>> -> memref<10000x128xf32, #tpu.memory_space<hbm>>
      tpu.wait_indirect_dma semaphore(%arg17 : memref<!tpu.dma_semaphore, #tpu.memory_space<semaphore_mem>>) src(%dma_wait3A_288 : memref<10000x128xf32, #tpu.memory_space<hbm>>) dst(%arg14 : memref<80x128xf32, #tpu.memory_space<vmem>>)
      "tpu.region"() ({
        %run_scoped3A = tpu.sem_alloc : memref<!tpu.dma_semaphore, #tpu.memory_space<semaphore_mem>>
        %dma_start3A_289 = arith.constant 0 : i32
        %dma_start3A_290 = arith.constant 0 : i32
        %dma_start3A_291 = tpu.memref_slice %arg15[%dma_start3A_289, %dma_start3A_290] : memref<10000x128xf32, #tpu.memory_space<vmem_shared>> -> memref<10000x128xf32, #tpu.memory_space<vmem_shared>>
        tpu.enqueue_indirect_dma source(%arg14 : memref<80x128xf32, #tpu.memory_space<vmem>>) target(%dma_start3A_291 : memref<10000x128xf32, #tpu.memory_space<vmem_shared>>) offsets(%arg12 : memref<80xi32, #tpu.memory_space<vmem>>) semaphore(%run_scoped3A : memref<!tpu.dma_semaphore, #tpu.memory_space<semaphore_mem>>) {add = true}
        %dma_wait3A_292 = arith.constant 0 : i32
        %dma_wait3A_293 = arith.constant 0 : i32
        %dma_wait3A_294 = tpu.memref_slice %arg15[%dma_wait3A_292, %dma_wait3A_293] : memref<10000x128xf32, #tpu.memory_space<vmem_shared>> -> memref<10000x128xf32, #tpu.memory_space<vmem_shared>>
        tpu.wait_indirect_dma semaphore(%run_scoped3A : memref<!tpu.dma_semaphore, #tpu.memory_space<semaphore_mem>>) src(%arg14 : memref<80x128xf32, #tpu.memory_space<vmem>>) dst(%dma_wait3A_294 : memref<10000x128xf32, #tpu.memory_space<vmem_shared>>)
        tpu.yield
      }) : () -> ()
    }
    %scan3A_80 = arith.constant 62 : i32
    %dma_wait3A = arith.constant 0 : i32
    %dma_wait3A_81 = arith.constant 0 : i32
    %dma_wait3A_82 = tpu.memref_slice %arg2[%dma_wait3A, %dma_wait3A_81] : memref<10000x128xf32, #tpu.memory_space<hbm>> -> memref<10000x128xf32, #tpu.memory_space<hbm>>
    tpu.wait_indirect_dma semaphore(%arg16 : memref<!tpu.dma_semaphore, #tpu.memory_space<semaphore_mem>>) src(%dma_wait3A_82 : memref<10000x128xf32, #tpu.memory_space<hbm>>) dst(%arg13 : memref<80x128xf32, #tpu.memory_space<vmem>>)
    "tpu.region"() ({
      %run_scoped3A = tpu.sem_alloc : memref<!tpu.dma_semaphore, #tpu.memory_space<semaphore_mem>>
      %dma_start3A_84 = arith.constant 0 : i32
      %dma_start3A_85 = arith.constant 0 : i32
      %dma_start3A_86 = tpu.memref_slice %arg15[%dma_start3A_84, %dma_start3A_85] : memref<10000x128xf32, #tpu.memory_space<vmem_shared>> -> memref<10000x128xf32, #tpu.memory_space<vmem_shared>>
      tpu.enqueue_indirect_dma source(%arg13 : memref<80x128xf32, #tpu.memory_space<vmem>>) target(%dma_start3A_86 : memref<10000x128xf32, #tpu.memory_space<vmem_shared>>) offsets(%arg11 : memref<80xi32, #tpu.memory_space<vmem>>) semaphore(%run_scoped3A : memref<!tpu.dma_semaphore, #tpu.memory_space<semaphore_mem>>) {add = true}
      %dma_wait3A_87 = arith.constant 0 : i32
      %dma_wait3A_88 = arith.constant 0 : i32
      %dma_wait3A_89 = tpu.memref_slice %arg15[%dma_wait3A_87, %dma_wait3A_88] : memref<10000x128xf32, #tpu.memory_space<vmem_shared>> -> memref<10000x128xf32, #tpu.memory_space<vmem_shared>>
      tpu.wait_indirect_dma semaphore(%run_scoped3A : memref<!tpu.dma_semaphore, #tpu.memory_space<semaphore_mem>>) src(%arg13 : memref<80x128xf32, #tpu.memory_space<vmem>>) dst(%dma_wait3A_89 : memref<10000x128xf32, #tpu.memory_space<vmem_shared>>)
      tpu.yield
    }) : () -> ()
    %barrier3A_83 = arith.constant 0 : index
    tpu.barrier barrier_id(%barrier3A_83)
    "tpu.region"() ({
      %run_scoped3A = tpu.sem_alloc : memref<!tpu.dma_semaphore, #tpu.memory_space<semaphore_mem>>
      %dma_start3A_84 = arith.constant 0 : i32
      %dma_start3A_85 = tpu.memref_slice %arg6[%arg0, %multiple_of3A, %dma_start3A_84] : memref<2x10000x128xf32, #tpu.memory_space<hbm>> -> memref<1x640x128xf32, #tpu.memory_space<hbm>>
      %dma_start3A_86 = tpu.memref_squeeze %dma_start3A_85 : memref<1x640x128xf32, #tpu.memory_space<hbm>> -> memref<640x128xf32, #tpu.memory_space<hbm>>
      %dma_start3A_87 = arith.constant 0 : i32
      %dma_start3A_88 = tpu.memref_slice %arg15[%multiple_of3A, %dma_start3A_87] : memref<10000x128xf32, #tpu.memory_space<vmem_shared>> -> memref<640x128xf32, #tpu.memory_space<vmem_shared>>
      tpu.enqueue_dma source(%dma_start3A_88 : memref<640x128xf32, #tpu.memory_space<vmem_shared>>) target(%dma_start3A_86 : memref<640x128xf32, #tpu.memory_space<hbm>>) target_semaphore(%run_scoped3A : memref<!tpu.dma_semaphore, #tpu.memory_space<semaphore_mem>>)
      %dma_wait3A_89 = arith.constant 0 : i32
      %dma_wait3A_90 = tpu.memref_slice %arg6[%arg0, %multiple_of3A, %dma_wait3A_89] : memref<2x10000x128xf32, #tpu.memory_space<hbm>> -> memref<1x640x128xf32, #tpu.memory_space<hbm>>
      %dma_wait3A_91 = tpu.memref_squeeze %dma_wait3A_90 : memref<1x640x128xf32, #tpu.memory_space<hbm>> -> memref<640x128xf32, #tpu.memory_space<hbm>>
      %dma_wait3A_92 = arith.constant 0 : i32
      %dma_wait3A_93 = tpu.memref_slice %arg15[%multiple_of3A, %dma_wait3A_92] : memref<10000x128xf32, #tpu.memory_space<vmem_shared>> -> memref<640x128xf32, #tpu.memory_space<vmem_shared>>
      tpu.wait_dma2 semaphore(%run_scoped3A : memref<!tpu.dma_semaphore, #tpu.memory_space<semaphore_mem>>) src(%dma_wait3A_93 : memref<640x128xf32, #tpu.memory_space<vmem_shared>>) dst(%dma_wait3A_91 : memref<640x128xf32, #tpu.memory_space<hbm>>)
      tpu.yield
    }) : () -> ()
    return
  }
}

module attributes {stable_mosaic.version = 14 : i64} {
  func.func @body(%arg0: i32, %arg1: memref<1000x128xf32, #tpu.memory_space<vmem>>, %arg2: memref<1000x128xf32, #tpu.memory_space<vmem>>, %arg3: memref<1000x128xf32, #tpu.memory_space<vmem>>, %arg4: memref<128x128xf32, #tpu.memory_space<vmem>>, %arg5: memref<1x128xf32, #tpu.memory_space<vmem>>, %arg6: memref<128x128xf32, #tpu.memory_space<vmem>>, %arg7: memref<1x128xf32, #tpu.memory_space<vmem>>, %arg8: memref<1000x128xf32, #tpu.memory_space<vmem>>) attributes {dimension_semantics = [#tpu.dimension_semantics<arbitrary>], iteration_bounds = array<i64: 10>, scalar_prefetch = 0 : i64, scratch_operands = 0 : i64, tpu.core_type = #tpu.core_type<tc>, window_params = [{transform_indices = @transform_0, window_bounds = array<i64: 1000, 128>}, {transform_indices = @transform_1, window_bounds = array<i64: 1000, 128>}, {transform_indices = @transform_2, window_bounds = array<i64: 1000, 128>}, {pipeline_mode = #tpu.pipeline_mode<synchronous>, transform_indices = @transform_3, window_bounds = array<i64: 128, 128>}, {pipeline_mode = #tpu.pipeline_mode<synchronous>, transform_indices = @transform_4, window_bounds = array<i64: 1, 128>}, {pipeline_mode = #tpu.pipeline_mode<synchronous>, transform_indices = @transform_5, window_bounds = array<i64: 128, 128>}, {pipeline_mode = #tpu.pipeline_mode<synchronous>, transform_indices = @transform_6, window_bounds = array<i64: 1, 128>}, {transform_indices = @transform_7, window_bounds = array<i64: 1000, 128>}]} {
    %get3A = arith.constant 0 : index
    %get3A_0 = arith.constant 0 : index
    %get3A_1 = vector.load %arg1[%get3A, %get3A_0] : memref<1000x128xf32, #tpu.memory_space<vmem>>, vector<1000x128xf32>
    %get3A_2 = arith.constant 0 : index
    %get3A_3 = arith.constant 0 : index
    %get3A_4 = vector.load %arg2[%get3A_2, %get3A_3] : memref<1000x128xf32, #tpu.memory_space<vmem>>, vector<1000x128xf32>
    %add3A = arith.addf %get3A_1, %get3A_4 : vector<1000x128xf32>
    %get3A_5 = arith.constant 0 : index
    %get3A_6 = arith.constant 0 : index
    %get3A_7 = vector.load %arg3[%get3A_5, %get3A_6] : memref<1000x128xf32, #tpu.memory_space<vmem>>, vector<1000x128xf32>
    %add3A_8 = arith.addf %add3A, %get3A_7 : vector<1000x128xf32>
    %get3A_9 = arith.constant 0 : index
    %get3A_10 = arith.constant 0 : index
    %get3A_11 = vector.load %arg4[%get3A_9, %get3A_10] : memref<128x128xf32, #tpu.memory_space<vmem>>, vector<128x128xf32>
    %dot_general3A = arith.constant dense<0.000000e+00> : vector<1000x128xf32>
    %dot_general3A_12 = tpu.matmul %add3A_8, %get3A_11, %dot_general3A {dimension_numbers = #tpu.dot_dimension_numbers<[1], [0], [0], [1], [0, 0, 1, 1], [], []>, transpose_lhs_hint = false} : vector<1000x128xf32>, vector<128x128xf32>, vector<1000x128xf32> -> vector<1000x128xf32>
    %get3A_13 = arith.constant 0 : index
    %get3A_14 = arith.constant 0 : index
    %get3A_15 = vector.load %arg5[%get3A_13, %get3A_14] : memref<1x128xf32, #tpu.memory_space<vmem>>, vector<1x128xf32>
    %add3A_16 = vector.broadcast %get3A_15 : vector<1x128xf32> to vector<1000x128xf32>
    %add3A_17 = arith.addf %dot_general3A_12, %add3A_16 : vector<1000x128xf32>
    %max3A = arith.constant 0.000000e+00 : f32
    %max3A_18 = vector.broadcast %max3A : f32 to vector<1000x128xf32>
    %max3A_19 = arith.maximumf %add3A_17, %max3A_18 : vector<1000x128xf32>
    %get3A_20 = arith.constant 0 : index
    %get3A_21 = arith.constant 0 : index
    %get3A_22 = vector.load %arg6[%get3A_20, %get3A_21] : memref<128x128xf32, #tpu.memory_space<vmem>>, vector<128x128xf32>
    %dot_general3A_23 = arith.constant dense<0.000000e+00> : vector<1000x128xf32>
    %dot_general3A_24 = tpu.matmul %max3A_19, %get3A_22, %dot_general3A_23 {dimension_numbers = #tpu.dot_dimension_numbers<[1], [0], [0], [1], [0, 0, 1, 1], [], []>, transpose_lhs_hint = false} : vector<1000x128xf32>, vector<128x128xf32>, vector<1000x128xf32> -> vector<1000x128xf32>
    %get3A_25 = arith.constant 0 : index
    %get3A_26 = arith.constant 0 : index
    %get3A_27 = vector.load %arg7[%get3A_25, %get3A_26] : memref<1x128xf32, #tpu.memory_space<vmem>>, vector<1x128xf32>
    %add3A_28 = vector.broadcast %get3A_27 : vector<1x128xf32> to vector<1000x128xf32>
    %add3A_29 = arith.addf %dot_general3A_24, %add3A_28 : vector<1000x128xf32>
    %swap3A = arith.constant 0 : index
    %swap3A_30 = arith.constant 0 : index
    %swap3A_31 = vector.load %arg8[%swap3A, %swap3A_30] : memref<1000x128xf32, #tpu.memory_space<vmem>>, vector<1000x128xf32>
    tpu.vector_store %arg8[%swap3A, %swap3A_30], %add3A_29 {strides = array<i32>} : memref<1000x128xf32, #tpu.memory_space<vmem>>, vector<1000x128xf32>,
    return
  }
  func.func @transform_0(%arg0: i32) -> (i32, i32) {
    %c0_i32 = arith.constant 0 : i32
    %c0_i32_0 = arith.constant 0 : i32
    return %arg0, %c0_i32 : i32, i32
  }
  func.func @transform_1(%arg0: i32) -> (i32, i32) {
    %c0_i32 = arith.constant 0 : i32
    %c0_i32_0 = arith.constant 0 : i32
    return %arg0, %c0_i32 : i32, i32
  }
  func.func @transform_2(%arg0: i32) -> (i32, i32) {
    %c0_i32 = arith.constant 0 : i32
    %c0_i32_0 = arith.constant 0 : i32
    return %arg0, %c0_i32 : i32, i32
  }
  func.func @transform_3(%arg0: i32) -> (i32, i32) {
    %c0_i32 = arith.constant 0 : i32
    %c0_i32_0 = arith.constant 0 : i32
    %c0_i32_1 = arith.constant 0 : i32
    return %c0_i32, %c0_i32_0 : i32, i32
  }
  func.func @transform_4(%arg0: i32) -> (i32, i32) {
    %c0_i32 = arith.constant 0 : i32
    %c0_i32_0 = arith.constant 0 : i32
    %c0_i32_1 = arith.constant 0 : i32
    return %c0_i32, %c0_i32_0 : i32, i32
  }
  func.func @transform_5(%arg0: i32) -> (i32, i32) {
    %c0_i32 = arith.constant 0 : i32
    %c0_i32_0 = arith.constant 0 : i32
    %c0_i32_1 = arith.constant 0 : i32
    return %c0_i32, %c0_i32_0 : i32, i32
  }
  func.func @transform_6(%arg0: i32) -> (i32, i32) {
    %c0_i32 = arith.constant 0 : i32
    %c0_i32_0 = arith.constant 0 : i32
    %c0_i32_1 = arith.constant 0 : i32
    return %c0_i32, %c0_i32_0 : i32, i32
  }
  func.func @transform_7(%arg0: i32) -> (i32, i32) {
    %c0_i32 = arith.constant 0 : i32
    %c0_i32_0 = arith.constant 0 : i32
    return %arg0, %c0_i32 : i32, i32
  }
}

</mosaic_0001>

<sc_bundles>
// kernel: kernel.4.cloned.1.call-start
scs
__scs_entry_jumppad:
0x0: {  	(pc) =	sbr.rel $0x88, $3  }
0x1: {  	(tag) =	ssettag $0x0;
	lr =	simm.s32 $0x1  }
0x2: {  	[smem:$0x3F9B] =	sst lr;
	_ =	strace $0xD0000000  }
0x3: {  	_ = 	snop  }
0x4: {  	_ = 	snop  }
0x5: {  	_ = 	snop  }
0x6: {  	_ = 	snop  }
0x7: {  	_ = 	snop  }
__scs_overlays_trampoline_lowered:
0x8: {  	[smem:$0x3FAA] =	sst s0  }
0x9: {  	[smem:$0x3FAB] =	sst s1  }
0xa: {  	[smem:$0x3FAC] =	sst s2  }
0xb: {  	[smem:$0x3FAD] =	sst s3  }
0xc: {  	[smem:$0x3FAE] =	sst s4  }
0xd: {  	[smem:$0x3FAF] =	sst s5  }
0xe: {  	[smem:$0x3FB0] =	sst s6  }
0xf: {  	[smem:$0x3FB1] =	sst s7  }
0x10: {  	[smem:$0x3FB2] =	sst s8  }
0x11: {  	[smem:$0x3FB3] =	sst s9;
	s0 =	simm.s32 @!p0 $0x0  }
0x12: {  	s1 =	sld [smem:$0x3F99];
	s0 =	simm.s32 @p0 $0x1  }
0x13: {  	[smem:$0x3FB4] =	sst s0;
	s0 =	simm.s32 @!p1 $0x0  }
0x14: {  	s2 =	sld [smem:$0x3F98];
	s0 =	simm.s32 @p1 $0x1  }
0x15: {  	[smem:$0x3FB5] =	sst s0;
	s0 =	simm.s32 @!p2 $0x0  }
0x16: {  	s3 =	sld [smem:$0x3FDB];
	s0 =	simm.s32 @p2 $0x1  }
0x17: {  	s4 =	simm.s32 $0x1BF5;
	[smem:$0x3FB7] =	sst s0  }
0x18: {  	s0 =	sld [smem:$0x3F9A];
	_ =	swait.ge [sflag:s4], $0x0  }
0x19: {  	s7 =	sld [smem:$0x3F9B]  }
0x1a: {  	s8 =	sadd.s32 $0xFFFFE003, lr  }
0x1b: {  	s9 =	sadd.s32 $0xFFFFFEF7, lr;
	s5 =	simm.s32 $0xFFFFFFFF;
	p2 =	slt.u32 s8, $0xFFFFF086  }
0x1c: {  	p1 =	slt.u32 s9, $0xF7A;
	s5 =	simm.s32 @!p2 $0x0  }
0x1d: {  	s5 =	simm.s32 @p1 $0x1;
	p0 =	seq.s32 s7, s2  }
0x1e: {  	s7 =	smul.u32 @!p0 $0xF7A, s2;
	p2 =	seq.s32 @!p0 s5, $0x0  }
0x1f: {  	s9 =	smul.u32 $0xF7A, s1;
	s8 =	simm.s32 @!p0 $0x1BF5;
	p2 =	por !p2, p0  }
0x20: {  	[sflag:s8] =	ssyncset.s32 @!p0 $0xFFFFF086;
	s6 =	sadd.s32 @!p0 s3, s7;
	s7 =	simm.s32 @!p0 $0x108  }
0x21: {  	s3 =	sadd.s32 s3, s9;
	s6 =	sadd.s32 @!p0 $0x88, s6;
	s7 =	simm.s32 @p2 $0x1082  }
0x22: {  	[simem:s7], [sflag:s8] =	dma.local @!p0 [hbm:s6], $0xF7A  }
0x23: {  	s9 =	sor.u32 $0xD0000000, s2;
	s6 =	simm.s32 $0x108;
	_ =	swait.ge @!p0 [sflag:s8], $0x0  }
0x24: {  	s3 =	sadd.s32 $0x88, s3;
	s6 =	simm.s32 @!p1 $0x1082;
	[sflag:s4] =	ssyncset.s32 $0xFFFFF086  }
0x25: {  	[simem:s6], [sflag:s4] =	dma.local [hbm:s3], $0xF7A  }
0x26: {  	[smem:$0x3F9B] =	sst s1;
	(tag) =	ssettag s2;
	_ =	strace s9  }
0x27: {  	s1 =	sld [smem:$0x3FAB]  }
0x28: {  	s2 =	sld [smem:$0x3FAC]  }
0x29: {  	s4 =	sld [smem:$0x3FAE]  }
0x2a: {  	p0 =	seq.s32 s5, $0x0;
	s5 =	sld [smem:$0x3FAF]  }
0x2b: {  	s6 =	sld [smem:$0x3FB0]  }
0x2c: {  	s7 =	sld [smem:$0x3FB1]  }
0x2d: {  	s3 =	simm.s32 $0x108;
	s8 =	sld [smem:$0x3FB2]  }
0x2e: {  	s3 =	simm.s32 @!p0 $0x1082;
	s9 =	sld [smem:$0x3FB3]  }
0x2f: {  	lr =	sadd.s32 s0, s3;
	s0 =	sld [smem:$0x3FAA]  }
0x30: {  	s3 =	sld [smem:$0x3FAD]  }
0x31: {  	[smem:$0x3FB6] =	sst s10  }
0x32: {  	s10 =	sld [smem:$0x3FB4];
	_ =	sdelay $0x3  }
0x33: {  	p0 =	seq.s32 s10, $0x1;
	s10 =	sld [smem:$0x3FB6];
	_ =	sdelay $0x3  }
0x34: {  	[smem:$0x3FB6] =	sst s10  }
0x35: {  	s10 =	sld [smem:$0x3FB5];
	_ =	sdelay $0x3  }
0x36: {  	p1 =	seq.s32 s10, $0x1;
	s10 =	sld [smem:$0x3FB6];
	_ =	sdelay $0x3  }
0x37: {  	[smem:$0x3FB6] =	sst s10  }
0x38: {  	s10 =	sld [smem:$0x3FB7]  }
0x39: {  	_ = 	snop;
	(pc) =	sbr.ind lr, $3  }
0x3a: {  	_ = 	snop  }
0x3b: {  	_ = 	snop  }
0x3c: {  	p2 =	seq.s32 s10, $0x1;
	s10 =	sld [smem:$0x3FB6]  }
0x3d: {  	_ =	shalt  }
0x3e: {  	_ =	shalt  }
0x3f: {  	_ =	shalt  }
0x40: {  	_ =	shalt  }
0x41: {  	_ =	shalt  }
0x42: {  	_ =	shalt  }
0x43: {  	_ =	shalt  }
0x44: {  	_ =	shalt  }
0x45: {  	_ =	shalt  }
0x46: {  	_ =	shalt  }
0x47: {  	_ =	shalt  }
0x48: {  	_ =	shalt  }
0x49: {  	_ =	shalt  }
0x4a: {  	_ =	shalt  }
0x4b: {  	_ =	shalt  }
0x4c: {  	_ =	shalt  }
0x4d: {  	_ =	shalt  }
0x4e: {  	_ =	shalt  }
0x4f: {  	_ =	shalt  }
0x50: {  	_ =	shalt  }
0x51: {  	_ =	shalt  }
0x52: {  	_ =	shalt  }
0x53: {  	_ =	shalt  }
0x54: {  	_ =	shalt  }
0x55: {  	_ =	shalt  }
0x56: {  	_ =	shalt  }
0x57: {  	_ =	shalt  }
0x58: {  	_ =	shalt  }
0x59: {  	_ =	shalt  }
0x5a: {  	_ =	shalt  }
0x5b: {  	_ =	shalt  }
0x5c: {  	_ =	shalt  }
0x5d: {  	_ =	shalt  }
0x5e: {  	_ =	shalt  }
0x5f: {  	_ =	shalt  }
0x60: {  	_ =	shalt  }
0x61: {  	_ =	shalt  }
0x62: {  	_ =	shalt  }
0x63: {  	_ =	shalt  }
0x64: {  	_ =	shalt  }
0x65: {  	_ =	shalt  }
0x66: {  	_ =	shalt  }
0x67: {  	_ =	shalt  }
0x68: {  	_ =	shalt  }
0x69: {  	_ =	shalt  }
0x6a: {  	_ =	shalt  }
0x6b: {  	_ =	shalt  }
0x6c: {  	_ =	shalt  }
0x6d: {  	_ =	shalt  }
0x6e: {  	_ =	shalt  }
0x6f: {  	_ =	shalt  }
0x70: {  	_ =	shalt  }
0x71: {  	_ =	shalt  }
0x72: {  	_ =	shalt  }
0x73: {  	_ =	shalt  }
0x74: {  	_ =	shalt  }
0x75: {  	_ =	shalt  }
0x76: {  	_ =	shalt  }
0x77: {  	_ =	shalt  }
0x78: {  	_ =	shalt  }
0x79: {  	_ =	shalt  }
0x7a: {  	_ =	shalt  }
0x7b: {  	_ =	shalt  }
0x7c: {  	_ =	shalt  }
0x7d: {  	_ =	shalt  }
0x7e: {  	_ =	shalt  }
0x7f: {  	_ =	shalt  }
0x80: {  	_ =	shalt  }
0x81: {  	_ =	shalt  }
0x82: {  	_ =	shalt  }
0x83: {  	_ =	shalt  }
0x84: {  	_ =	shalt  }
0x85: {  	_ =	shalt  }
0x86: {  	_ =	shalt  }
0x87: {  	_ =	shalt  }
.Lfunc_end0:
.L_simem_size_0:
called_computation_lowered:
.L_overlay_start_0:
0x88: {  	s2 =	sld [smem:$0x3FD9]  }
0x89: {  	s3 =	sld [smem:$0x3FFE];
	_ =	sdelay $0x1  }
0x8a: {  	s1 =	srdreg.scid  }
0x8b: {  	s0 =	sand.u32 $0x1, s1  }
0x8c: {  	s17 =	sshll.u32 s0, $0xA;
	s2 =	sadd.s32 s3, s2  }
0x8d: {  	s2 =	sadd.s32 s2, s17  }
0x8e: {  	[smem:$0x3FC2] =	sst s2  }
0x8f: {  	_ = 	snop  }
0x90: {  	s2 =	sld [smem:$0x3FC9]  }
0x91: {  	s18 =	sld [smem:$0x3FD0];
	(tm) =	ssettm $0x1  }
0x92: {  	s4 =	sld [smem:$0x3FFB];
	_ =	sdelay $0x3  }
0x93: {  	_ =	strace s4  }
0x94: {  	s4 =	sld [smem:$0x3FFC];
	_ =	sdelay $0x3  }
0x95: {  	_ =	strace s4  }
0x96: {  	s4 =	sld [smem:$0x3FFD];
	_ =	sdelay $0x3  }
0x97: {  	_ =	strace s4  }
0x98: {  	_ =	strace $0x8FFFFFFF  }
0x99: {  	s19 =	sld [smem:$0x3FDB];
	_ =	sdelay $0x1  }
0x9a: {  	s5 =	simm.s32 $_scs_section_size  }
0x9b: {  	s6 =	simm.s32 $_size__tile_overlayer_lowered;
	s7 =	simm.s32 $_tile_overlayer_lowered  }
0x9c: {  	s22 =	simm.s32 $0x1BFF;
	s21 =	sshll.u32 s7, $0x1;
	s4 =	sadd.s32 s5, s19  }
0x9d: {  	s8 =	simm.s32 $0x0;
	s20 =	sshll.u32 s6, $0x1;
	s6 =	sadd.s32 s21, s4  }
0x9e: {  	[timem:s8], [sflag:s22] =	dma.local [hbm:s6], s20  }
0x9f: {  	_ =	swait.ge [sflag:s22], s20  }
0xa0: {  	s5 =	ssub.s32 $0x0, s20;
	[sflag:s22] =	ssyncset.done $0x0  }
0xa1: {  	[sflag:s22] =	ssyncadd.s32 s5;
	_ =	sdelay $0x1  }
0xa2: {  	s23 =	simm.s32 $0x1B8B  }
0xa3: {  	_ =	swait.ge [sflag:s23], $0x1  }
0xa4: {  	[sflag:s23] =	ssyncset.done $0x0  }
0xa5: {  	s25 =	simm.s32 $0x1B8E;
	s24 =	sld [smem:$0x3FFE];
	[sflag:s23] =	ssyncadd.s32 $0xFFFFFFFF  }
0xa6: {  	s26 =	simm.s32 $execute0_lowered;
	[smem:$0x3FD2] =	sst s25  }
0xa7: {  	s6 =	sshll.u32 s26, $0x1;
	_ =	strace $0x80000046;
	[dreg:$0x1] =	wrdreg $0xFFFFFFFF  }
0xa8: {  	s28 =	simm.s32 $_size_execute0_lowered;
	s4 =	sadd.s32 s4, s6;
	[dreg:$0x0] =	wrdreg $0x0  }
0xa9: {  	s6 =	sshll.u32 s28, $0x1;
	[dreg:$0x2] =	wrdreg s4  }
0xaa: {  	[dreg:$0x3] =	wrdreg s6  }
0xab: {  	[dreg:$0x4] =	wrdreg $0xC0  }
0xac: {  	_ =	task [dreg:s8], $0x5FFFF  }
0xad: {  	[dreg:$0x1] =	wrdreg $0xFFFFFFFF  }
0xae: {  	[dreg:$0x0] =	wrdreg $0x60  }
0xaf: {  	[dreg:$0x2] =	wrdreg s2  }
0xb0: {  	[dreg:$0x3] =	wrdreg s24  }
0xb1: {  	[dreg:$0x4] =	wrdreg s18  }
0xb2: {  	[dreg:$0x5] =	wrdreg $0xA1000  }
0xb3: {  	[dreg:$0x6] =	wrdreg $0x9  }
0xb4: {  	_ =	task.clear_ibuf [dreg:s8], $0x7FFFF;
	_ =	strace $0x90000046  }
0xb5: {  	s29 =	simm.s32 $0x9;
	_ =	strace $0x80000048  }
0xb6: {  	_ =	swait.ge [sflag:s29], $0x1  }
0xb7: {  	[sflag:s29] =	ssyncadd.s32 $0xFFFFFFFF  }
0xb8: {  	_ =	strace $0x90000048  }
0xb9: {  	_ =	sfence  }
0xba: {  	s30 =	sld [smem:$0x0];
	_ =	sdelay $0x2  }
0xbb: {  	s31 =	sshll.u32 s1, $0xD;
	s1 =	sshrl.u32 s1, $0x2  }
0xbc: {  	s3 =	sand.u32 $0x4000, s31;
	s1 =	sadd.s32 s1, s30  }
0xbd: {  	s0 =	sor.u32 s3, s0;
	s1 =	sshll.u32 s1, $0x11  }
0xbe: {  	s0 =	sor.u32 s1, s0  }
0xbf: {  	s0 =	sadd.s32 $0x8F2B, s0  }
0xc0: {  	[sflag:s0] =	ssyncadd.remote.s32 $0x1  }
0xc1: {  	_ =	sfence.sel $0xFFFF  }
0xc2: {  	[dreg:$0x0] =	wrdreg $0xFFFFFFFF;
	(pc) =	sbr.abs _section_cstart, $3  }
0xc3: {  	[dreg:$0x1] =	wrdreg $0xFFFFFFFF  }
0xc4: {  	_ =	task.clear_ibuf [dreg:s8], $0x2FFFF;
	_ =	strace $0x9FFFFFFF  }
0xc5: {  	(tm) =	ssettm $0x7FFFFFFF  }
tec
execute0_lowered:
.L_overlay_start_1:
0x0: {  	(tag) =	ssettag $0x1  }
0x1: {  	s1 =	rddreg [dreg:$0x0]  }
0x2: {  	s5 =	rddreg [dreg:$0x1]  }
0x3: {  	s6 =	rddreg [dreg:$0x2]  }
0x4: {  	s2 =	srdreg.scid;
	s0 =	stileid.u32  }
0x5: {  	s3 =	rddreg [dreg:$0x3];
	s4 =	simm.s32 $0x0;
	s13 =	simm.s32 $0x2780  }
0x6: {  	s14 =	simm.s32 $0x50;
	s15 =	simm.s32 $0x4F00;
	s16 =	simm.s32 $0x5100  }
0x7: {  	s17 =	simm.s32 $0x4F80;
	s18 =	simm.s32 $0x7900;
	s19 =	simm.s32 $0x1  }
0x8: {  	s20 =	simm.s32 $0x5000;
	s21 =	simm.s32 $0x2;
	s22 =	simm.s32 $0x5080  }
0x9: {  	s23 =	simm.s32 $0x0;
	s7 =	sand.u32 $0x1, s2;
	s2 =	rddreg [dreg:$0x4]  }
0xa: {  	s8 =	smul.u32 $0x280, s0;
	[smem:$0x7FF] =	sst s4;
	s31 =	sshll.u32 s0, $0x6  }
0xb: {  	s9 =	sshll.u32 s7, $0x4;
	s10 =	smul.u32 $0x138800, s7;
	_ =	strace $0x80000047  }
0xc: {  	s7 =	ssub.s32 $0x2, s7;
	s9 =	sor.u32 s0, s9;
	s8 =	smin.u32 s8, $0x2490  }
0xd: {  	s12 =	sshrl.u32 s7, $0x1;
	s9 =	smul.u32 $0x4E2, s9;
	s11 =	sshll.u32 s8, $0x7  }
0xe: {  	s12 =	ssub.s32 s7, s12;
	s30 =	sshll.u32 s8, $0x4;
	s10 =	sadd.s32 s10, s11  }
0xf: {  	s11 =	sadd.s32 s11, s3;
	s9 =	sadd.s32 s9, s5;
	s10 =	sshrl.u32 s10, $0x3  }
0x10: {  	s11 =	sshrl.u32 s11, $0x3;
	s10 =	sadd.s32 s10, s5;
	s5 =	sadd.s32 s6, s30  }
0x11: {  	s6 =	sor.u32 $0x1C03, s31;
	s7 =	sadd.s32 $0xAC00, s9;
	s8 =	sadd.s32 $0xE00, s9  }
0x12: {  	s9 =	sadd.s32 $0x14A00, s10;
	s10 =	smax.u32 s12, $0x1;
	s12 =	simm.s32 $0x3  }
.LBB2_1:
0x13: {  	[spmem:s11], [sflag:s6] =	dma.local [hbm:s5], $0x2800  }
0x14: {  	_ =	swait.ge [sflag:s12], $0x2800  }
0x15: {  	[sflag:s12] =	ssyncset.done $0x0  }
0x16: {  	[sflag:s12] =	ssyncadd.s32 $0xFFFFD800  }
0x17: {  	[tilespmem:s4], [sflag:$0x3] =	stream.linear.gather [hbm4b:s7+s4], $0x2710, $0x38;
	[tilespmem:$0x1D980] =	vst v63  }
0x18: {  	_ =	swait.ge [sflag:s12], $0x2710  }
0x19: {  	[sflag:s12] =	ssyncset.done $0x0  }
0x1a: {  	[sflag:s12] =	ssyncadd.s32 $0xFFFFD8F0  }
0x1b: {  	[tilespmem:s13], [sflag:$0x3] =	stream.linear.gather [hbm4b:s8+s4], $0x2710, $0x38;
	[tilespmem:$0x1D980] =	vst v63  }
0x1c: {  	_ =	swait.ge [sflag:s12], $0x2710  }
0x1d: {  	[sflag:s12] =	ssyncset.done $0x0  }
0x1e: {  	[sflag:s12] =	ssyncadd.s32 $0xFFFFD8F0  }
0x1f: {  	[bflag:$0x0] =	sbarrier.arrive $0xFFFF  }
0x20: {  	v0 =	vld [tilespmem:$0x0]  }
0x21: {  	v1 =	vld [tilespmem:$0x2780]  }
0x22: {  	v2 =	vld [tilespmem:$0x10]  }
0x23: {  	v3 =	vld [tilespmem:$0x2790]  }
0x24: {  	v4 =	vld [tilespmem:$0x20]  }
0x25: {  	v58 =	vld [tilespmem:$0x27A0];
	[tilespmem:$0x4F00] =	vst v0  }
0x26: {  	v59 =	vld [tilespmem:$0x30];
	[tilespmem:$0x5000] =	vst v1  }
0x27: {  	v60 =	vld [tilespmem:$0x27B0];
	[tilespmem:$0x4F10] =	vst v2  }
0x28: {  	v61 =	vld [tilespmem:$0x40];
	[tilespmem:$0x5010] =	vst v3  }
0x29: {  	v62 =	vld [tilespmem:$0x27C0];
	[tilespmem:$0x4F20] =	vst v4  }
0x2a: {  	[tilespmem:$0x5020] =	vst v58  }
0x2b: {  	[tilespmem:$0x4F30] =	vst v59  }
0x2c: {  	[tilespmem:$0x5030] =	vst v60  }
0x2d: {  	[tilespmem:$0x4F40] =	vst v61  }
0x2e: {  	s24 =	simm.s32 $0x70;
	[tilespmem:$0x5040] =	vst v62  }
0x2f: {  	[tilespmem:s16], [sflag:$0x1] =	stream.indirect.gather [hbm4b:s1+s14], $0x80, s15, s14, $0xb8;
	[tilespmem:$0x1D980] =	vst v63  }
0x30: {  	v0 =	vld [tilespmem:s24+$0xFFFFFFE0];
	_ =	sdelay $0x4  }
0x31: {  	s25 =	simm.s32 $0x27F0;
	[tilespmem:$0x4F80] =	vst v0  }
0x32: {  	v0 =	vld [tilespmem:s25+$0xFFFFFFE0];
	_ =	sdelay $0x4  }
0x33: {  	[tilespmem:$0x5080] =	vst v0  }
0x34: {  	v0 =	vld [tilespmem:s24+$0xFFFFFFF0];
	_ =	sdelay $0x4  }
0x35: {  	[tilespmem:$0x4F90] =	vst v0  }
0x36: {  	v0 =	vld [tilespmem:s25+$0xFFFFFFF0];
	_ =	sdelay $0x4  }
0x37: {  	[tilespmem:$0x5090] =	vst v0  }
0x38: {  	v0 =	vld [tilespmem:s24+$0x0];
	_ =	sdelay $0x4  }
0x39: {  	[tilespmem:$0x4FA0] =	vst v0  }
0x3a: {  	v0 =	vld [tilespmem:s25+$0x0];
	_ =	sdelay $0x4  }
0x3b: {  	s26 =	sand.u32 $0x3FE0, s4;
	[tilespmem:$0x50A0] =	vst v0  }
0x3c: {  	v0 =	vld [tilespmem:s26+$0x80];
	_ =	sdelay $0x4  }
0x3d: {  	[tilespmem:$0x4FB0] =	vst v0  }
0x3e: {  	v0 =	vld [tilespmem:s26+$0x2800];
	_ =	sdelay $0x4  }
0x3f: {  	[tilespmem:$0x50B0] =	vst v0  }
0x40: {  	v0 =	vld [tilespmem:s24+$0x20];
	_ =	sdelay $0x4  }
0x41: {  	[tilespmem:$0x4FC0] =	vst v0  }
0x42: {  	v0 =	vld [tilespmem:s25+$0x20];
	_ =	sdelay $0x4  }
0x43: {  	[tilespmem:$0x50C0] =	vst v0  }
0x44: {  	[tilespmem:s18], [sflag:$0x2] =	stream.indirect.gather [hbm4b:s1+s14], $0x80, s17, s14, $0xb8;
	[tilespmem:$0x1D980] =	vst v63  }
0x45: {  	_ =	swait.ge [sflag:s19], $0x2800  }
0x46: {  	[sflag:s19] =	ssyncset.done $0x0  }
0x47: {  	[sflag:s19] =	ssyncadd.s32 $0xFFFFD800  }
0x48: {  	[spmem:s3] =	stream.indirect.scatter.add.f32 [tilespmem:s16], [sflag:$0x3], $0x80, s20, s14, $0xb8;
	[tilespmem:$0x1D980] =	vst v63  }
0x49: {  	_ =	swait.ge [sflag:s12], $0x2800  }
0x4a: {  	[sflag:s12] =	ssyncset.done $0x0  }
0x4b: {  	[sflag:s12] =	ssyncadd.s32 $0xFFFFD800  }
0x4c: {  	v63 =	vld [tilespmem:s24+$0x30];
	_ =	sdelay $0x4  }
0x4d: {  	[tilespmem:$0x4F00] =	vst v63  }
0x4e: {  	v0 =	vld [tilespmem:s25+$0x30];
	_ =	sdelay $0x4  }
0x4f: {  	[tilespmem:$0x5000] =	vst v0  }
0x50: {  	v0 =	vld [tilespmem:s24+$0x40];
	_ =	sdelay $0x4  }
0x51: {  	[tilespmem:$0x4F10] =	vst v0  }
0x52: {  	v0 =	vld [tilespmem:s25+$0x40];
	_ =	sdelay $0x4  }
0x53: {  	[tilespmem:$0x5010] =	vst v0  }
0x54: {  	v0 =	vld [tilespmem:s24+$0x50];
	_ =	sdelay $0x4  }
0x55: {  	[tilespmem:$0x4F20] =	vst v0  }
0x56: {  	v0 =	vld [tilespmem:s25+$0x50];
	_ =	sdelay $0x4  }
0x57: {  	[tilespmem:$0x5020] =	vst v0  }
0x58: {  	v0 =	vld [tilespmem:s24+$0x60];
	_ =	sdelay $0x4  }
0x59: {  	[tilespmem:$0x4F30] =	vst v0  }
0x5a: {  	v0 =	vld [tilespmem:s25+$0x60];
	_ =	sdelay $0x4  }
0x5b: {  	[tilespmem:$0x5030] =	vst v0  }
0x5c: {  	v0 =	vld [tilespmem:s24+$0x70];
	_ =	sdelay $0x4  }
0x5d: {  	[tilespmem:$0x4F40] =	vst v0  }
0x5e: {  	v0 =	vld [tilespmem:s25+$0x70];
	_ =	sdelay $0x4  }
0x5f: {  	[tilespmem:$0x5040] =	vst v0  }
0x60: {  	[tilespmem:s16], [sflag:$0x1] =	stream.indirect.gather [hbm4b:s1+s14], $0x80, s15, s14, $0xb8;
	[tilespmem:$0x1D980] =	vst v63  }
0x61: {  	_ =	swait.ge [sflag:s21], $0x2800  }
0x62: {  	[sflag:s21] =	ssyncset.done $0x0  }
0x63: {  	[sflag:s21] =	ssyncadd.s32 $0xFFFFD800  }
0x64: {  	[spmem:s3] =	stream.indirect.scatter.add.f32 [tilespmem:s18], [sflag:$0x3], $0x80, s22, s14, $0xb8;
	[tilespmem:$0x1D980] =	vst v63  }
0x65: {  	_ =	swait.ge [sflag:s12], $0x2800  }
0x66: {  	s26 =	simm.s32 $0xA0;
	[sflag:s12] =	ssyncset.done $0x0  }
.LBB2_2:
0x67: {  	[sflag:s12] =	ssyncadd.s32 $0xFFFFD800;
	s25 =	sadd.s32 $0xA0, s25;
	s24 =	sadd.s32 $0xA0, s24  }
0x68: {  	p0 =	sne.s32 s26, $0x2620;
	s28 =	smov.u32 s26;
	s26 =	sadd.s32 $0xA0, s26;
	v0 =	vld [tilespmem:s24+$0xFFFFFFE0]  }
0x69: {  	_ =	sdelay $0x3  }
0x6a: {  	[tilespmem:$0x4F80] =	vst v0  }
0x6b: {  	v0 =	vld [tilespmem:s25+$0xFFFFFFE0];
	_ =	sdelay $0x4  }
0x6c: {  	[tilespmem:$0x5080] =	vst v0  }
0x6d: {  	v0 =	vld [tilespmem:s24+$0xFFFFFFF0];
	_ =	sdelay $0x4  }
0x6e: {  	[tilespmem:$0x4F90] =	vst v0  }
0x6f: {  	v0 =	vld [tilespmem:s25+$0xFFFFFFF0];
	_ =	sdelay $0x4  }
0x70: {  	[tilespmem:$0x5090] =	vst v0  }
0x71: {  	v0 =	vld [tilespmem:s24+$0x0];
	_ =	sdelay $0x4  }
0x72: {  	[tilespmem:$0x4FA0] =	vst v0  }
0x73: {  	v0 =	vld [tilespmem:s25+$0x0];
	_ =	sdelay $0x4  }
0x74: {  	s28 =	sand.u32 $0x3FE0, s28;
	[tilespmem:$0x50A0] =	vst v0  }
0x75: {  	v0 =	vld [tilespmem:s28+$0x80];
	_ =	sdelay $0x4  }
0x76: {  	[tilespmem:$0x4FB0] =	vst v0  }
0x77: {  	v0 =	vld [tilespmem:s28+$0x2800];
	_ =	sdelay $0x4  }
0x78: {  	[tilespmem:$0x50B0] =	vst v0  }
0x79: {  	v0 =	vld [tilespmem:s24+$0x20];
	_ =	sdelay $0x4  }
0x7a: {  	[tilespmem:$0x4FC0] =	vst v0  }
0x7b: {  	v0 =	vld [tilespmem:s25+$0x20];
	_ =	sdelay $0x4  }
0x7c: {  	[tilespmem:$0x50C0] =	vst v0  }
0x7d: {  	[tilespmem:s18], [sflag:$0x2] =	stream.indirect.gather [hbm4b:s1+s14], $0x80, s17, s14, $0xb8;
	[tilespmem:$0x1D980] =	vst v63  }
0x7e: {  	_ =	swait.ge [sflag:s19], $0x2800  }
0x7f: {  	[sflag:s19] =	ssyncset.done $0x0  }
0x80: {  	[sflag:s19] =	ssyncadd.s32 $0xFFFFD800  }
0x81: {  	[spmem:s3] =	stream.indirect.scatter.add.f32 [tilespmem:s16], [sflag:$0x3], $0x80, s20, s14, $0xb8;
	[tilespmem:$0x1D980] =	vst v63  }
0x82: {  	_ =	swait.ge [sflag:s12], $0x2800  }
0x83: {  	[sflag:s12] =	ssyncset.done $0x0  }
0x84: {  	[sflag:s12] =	ssyncadd.s32 $0xFFFFD800  }
0x85: {  	v0 =	vld [tilespmem:s24+$0x30];
	_ =	sdelay $0x4  }
0x86: {  	[tilespmem:$0x4F00] =	vst v0  }
0x87: {  	v0 =	vld [tilespmem:s25+$0x30];
	_ =	sdelay $0x4  }
0x88: {  	[tilespmem:$0x5000] =	vst v0  }
0x89: {  	v0 =	vld [tilespmem:s24+$0x40];
	_ =	sdelay $0x4  }
0x8a: {  	[tilespmem:$0x4F10] =	vst v0  }
0x8b: {  	v0 =	vld [tilespmem:s25+$0x40];
	_ =	sdelay $0x4  }
0x8c: {  	[tilespmem:$0x5010] =	vst v0  }
0x8d: {  	v0 =	vld [tilespmem:s24+$0x50];
	_ =	sdelay $0x4  }
0x8e: {  	[tilespmem:$0x4F20] =	vst v0  }
0x8f: {  	v0 =	vld [tilespmem:s25+$0x50];
	_ =	sdelay $0x4  }
0x90: {  	[tilespmem:$0x5020] =	vst v0  }
0x91: {  	v0 =	vld [tilespmem:s24+$0x60];
	_ =	sdelay $0x4  }
0x92: {  	[tilespmem:$0x4F30] =	vst v0  }
0x93: {  	v0 =	vld [tilespmem:s25+$0x60];
	_ =	sdelay $0x4  }
0x94: {  	[tilespmem:$0x5030] =	vst v0  }
0x95: {  	v0 =	vld [tilespmem:s24+$0x70];
	_ =	sdelay $0x4  }
0x96: {  	[tilespmem:$0x4F40] =	vst v0  }
0x97: {  	v0 =	vld [tilespmem:s25+$0x70];
	_ =	sdelay $0x4  }
0x98: {  	[tilespmem:$0x5040] =	vst v0  }
0x99: {  	[tilespmem:s16], [sflag:$0x1] =	stream.indirect.gather [hbm4b:s1+s14], $0x80, s15, s14, $0xb8;
	[tilespmem:$0x1D980] =	vst v63  }
0x9a: {  	_ =	swait.ge [sflag:s21], $0x2800  }
.Ltmp0:
0x9b: {  	[sflag:s21] =	ssyncset.done $0x0;
	(pc) =	sbr.rel @p0 .LBB2_2-.Ltmp0, $4  }
0x9c: {  	[sflag:s21] =	ssyncadd.s32 $0xFFFFD800  }
0x9d: {  	[spmem:s3] =	stream.indirect.scatter.add.f32 [tilespmem:s18], [sflag:$0x3], $0x80, s22, s14, $0xb8;
	[tilespmem:$0x1D980] =	vst v63  }
0x9e: {  	_ =	swait.ge [sflag:s12], $0x2800  }
0x9f: {  	[sflag:s12] =	ssyncset.done $0x0  }
0xa0: {  	[sflag:s12] =	ssyncadd.s32 $0xFFFFD800  }
0xa1: {  	_ =	swait.ge [sflag:s19], $0x2800  }
0xa2: {  	[sflag:s19] =	ssyncset.done $0x0  }
0xa3: {  	[sflag:s19] =	ssyncadd.s32 $0xFFFFD800  }
0xa4: {  	[spmem:s3] =	stream.indirect.scatter.add.f32 [tilespmem:s16], [sflag:$0x3], $0x80, s20, s14, $0xb8;
	[tilespmem:$0x1D980] =	vst v63  }
0xa5: {  	_ =	swait.ge [sflag:s12], $0x2800  }
0xa6: {  	s23 =	sadd.s32 $0x1, s23;
	[sflag:s12] =	ssyncset.done $0x0  }
0xa7: {  	p0 =	sne.s32 s23, s10;
	[sflag:s12] =	ssyncadd.s32 $0xFFFFD800  }
.Ltmp1:
0xa8: {  	[bflag:$0x0] =	sbarrier.arrive $0xFFFF;
	(pc) =	sbr.rel @p0 .LBB2_1-.Ltmp1, $4  }
0xa9: {  	[hbm:s9], [sflag:s6] =	dma.local [spmem:s11], $0x2800  }
0xaa: {  	_ =	swait.ge [sflag:s12], $0x2800  }
0xab: {  	[sflag:s12] =	ssyncset.done $0x0  }
0xac: {  	[sflag:s12] =	ssyncadd.s32 $0xFFFFD800  }
0xad: {  	_ =	sfence.sel $0x180000  }
0xae: {  	[bflag:$0x0] =	sbarrier.arrive $0xFFFF  }
0xaf: {  	p0 =	sne.s32 s0, $0x0;
	_ =	strace $0x90000047  }
0xb0: {  	s0 =	sadd.s32 @!p0 $0x100000, s2;
	[bflag:$0x2] =	sbarrier.arrive $0xFFFF  }
0xb1: {  	[sflag:s0] =	ssyncadd.tile.s32 @!p0 $0x1;
	_ =	shalt  }
.Lfunc_end2:
_tile_overlayer_lowered:
.L_overlay_start_2:
0xb2: {  	(tag) =	ssettag $0x2  }
0xb3: {  	s0 =	rddreg [dreg:$0x0];
	s2 =	stileid.u32  }
0xb4: {  	s1 =	rddreg [dreg:$0x1];
	p0 =	sne.s32 s2, $0x0  }
0xb5: {  	s3 =	rddreg [dreg:$0x2];
	[bflag:$0x3] =	sbarrier.arrive $0xFFFF;
	s2 =	simm.s32 @!p0 $0x1C03  }
0xb6: {  	[timem:s3], [sflag:s2] =	dma.local @!p0 [hbm:s0], s1  }
0xb7: {  	s0 =	simm.s32 @!p0 $0x3  }
0xb8: {  	_ =	swait.ge @!p0 [sflag:s0], s1  }
0xb9: {  	s1 =	ssub.s32 @!p0 $0x0, s1;
	[sflag:s0] =	ssyncset.done @!p0 $0x0  }
0xba: {  	[sflag:s0] =	ssyncadd.s32 @!p0 s1  }
0xbb: {  	[bflag:$0x3] =	sbarrier.arrive $0xFFFF  }
0xbc: {  	_ =	shalt  }

</sc_bundles>
